<compile_context>
chip_gen: v7x
topology: tpu7x:2x2x1
jax: 0.10.2.dev20260603
libtpu: 0.0.44.dev20260713+nightly
codegen_flags: <defaults>
</compile_context>

<pallas_src>
import functools
import jax
import jax.numpy as jnp
from jax import lax
from jax.experimental import pallas as pl
from jax.experimental.pallas import tpu as pltpu
from jax.experimental.pallas import tpu_sc as plsc

NF = 32
IN_NF = 100
CO = 36
H = 224
W = 224
HW = H * W
BH = 8
NBLK = H // BH
NCORN = 8
GROWS = NCORN * HW
NW = 32
PERW = GROWS // NW
CH = 784
NCHUNK = PERW // CH
TD = 128
CBH = 8


def _prep_body(flow_ref, idx_ref, w_ref):
    i = pl.program_id(0)
    rowf = (jax.lax.broadcasted_iota(jnp.int32, (BH, W), 0)
            + i * BH).astype(jnp.float32)
    colf = jax.lax.broadcasted_iota(jnp.int32, (BH, W), 1).astype(jnp.float32)
    for wi in range(2):
        vx = colf + flow_ref[:, :, 2 * wi]
        vy = rowf + flow_ref[:, :, 2 * wi + 1]
        x0 = jnp.floor(vx)
        y0 = jnp.floor(vy)
        ax = vx - x0
        ay = vy - y0
        for t, (cy, cx) in enumerate([(0, 0), (0, 1), (1, 0), (1, 1)]):
            xi = x0 + cx
            yi = y0 + cy
            valid = ((xi >= 0) & (xi <= W - 1) & (yi >= 0) & (yi <= H - 1))
            xc = jnp.clip(xi, 0, W - 1).astype(jnp.int32)
            yc = jnp.clip(yi, 0, H - 1).astype(jnp.int32)
            wx = ax if cx == 1 else (1.0 - ax)
            wy = ay if cy == 1 else (1.0 - ay)
            k = wi * 4 + t
            idx_ref[k] = yc * W + xc + wi * HW
            w_ref[k] = wx * wy * valid.astype(jnp.float32)


def _prep(flow_hwc):
    return pl.pallas_call(
        _prep_body,
        grid=(NBLK,),
        in_specs=[pl.BlockSpec((BH, W, 4), lambda i: (i, 0, 0))],
        out_specs=[
            pl.BlockSpec((NCORN, BH, W), lambda i: (0, i, 0)),
            pl.BlockSpec((NCORN, BH, W), lambda i: (0, i, 0)),
        ],
        out_shape=[
            jax.ShapeDtypeStruct((NCORN, H, W), jnp.int32),
            jax.ShapeDtypeStruct((NCORN, H, W), jnp.float32),
        ],
    )(flow_hwc)


def _gather_sc(table, idx_flat):
    mesh = plsc.VectorSubcoreMesh(core_axis_name="c", subcore_axis_name="s")

    @functools.partial(
        pl.kernel,
        mesh=mesh,
        out_type=jax.ShapeDtypeStruct((GROWS, TD), jnp.float32),
        scratch_types=[
            pltpu.VMEM((CH,), jnp.int32),
            pltpu.VMEM((CH, TD), jnp.float32),
            pltpu.SemaphoreType.DMA,
        ],
    )
    def k(table_hbm, idx_hbm, out_hbm, idx_v, rows_v, sem):
        wid = lax.axis_index("s") * 2 + lax.axis_index("c")
        base = wid * PERW

        def body(c, carry):
            off = base + c * CH
            pltpu.sync_copy(idx_hbm.at[pl.ds(off, CH)], idx_v)
            pltpu.async_copy(table_hbm.at[idx_v], rows_v, sem).wait()
            pltpu.sync_copy(rows_v, out_hbm.at[pl.ds(off, CH)])
            return carry

        lax.fori_loop(0, NCHUNK, body, 0)

    return k(table, idx_flat)


def _combine_body(g_ref, w_ref, fd_ref, fl_ref, x_ref):
    parts = []
    for wi in range(2):
        acc = jnp.zeros((CBH, W, NF), jnp.float32)
        for t in range(4):
            k = wi * 4 + t
            acc = acc + g_ref[k][:, :, :NF] * w_ref[k][:, :, None]
        parts.append(acc)
    parts.append(fd_ref[...])
    parts.append(fl_ref[...])
    x_ref[...] = jnp.concatenate(parts, axis=-1)


def _combine(g4, w8, fd, fl):
    return pl.pallas_call(
        _combine_body,
        grid=(H // CBH,),
        in_specs=[
            pl.BlockSpec((NCORN, CBH, W, TD), lambda i: (0, i, 0, 0)),
            pl.BlockSpec((NCORN, CBH, W), lambda i: (0, i, 0)),
            pl.BlockSpec((CBH, W, NF), lambda i: (i, 0, 0)),
            pl.BlockSpec((CBH, W, 4), lambda i: (i, 0, 0)),
        ],
        out_specs=pl.BlockSpec((CBH, W, IN_NF), lambda i: (i, 0, 0)),
        out_shape=jax.ShapeDtypeStruct((H, W, IN_NF), jnp.float32),
    )(g4, w8, fd, fl)


def _conv9(xm1_ref, x0_ref, xp1_ref, wt_ref, cin, cout):
    i = pl.program_id(0)
    mt = jnp.where(i > 0, 1.0, 0.0)
    mb = jnp.where(i < NBLK - 1, 1.0, 0.0)
    top = xm1_ref[BH - 1:BH] * mt
    bot = xp1_ref[0:1] * mb
    xv = jnp.concatenate([top, x0_ref[...], bot], axis=0)
    zc = jnp.zeros((BH + 2, 1, cin), jnp.float32)
    xp = jnp.concatenate([zc, xv, zc], axis=1)
    if cin < 128:
        xp = jnp.concatenate(
            [xp, jnp.zeros((BH + 2, W + 2, 128 - cin), jnp.float32)], axis=-1)
    cols = jnp.concatenate([xp[ky:ky + BH, kx:kx + W, :].reshape(BH * W, 128)
                            for ky in range(3) for kx in range(3)], axis=1)
    z = jnp.dot(cols, wt_ref[...], preferred_element_type=jnp.float32)
    return z.reshape(BH, W, cout)


def _conv_head_body(xm1, x0, xp1, wt, p, sm, wl, bl, y_ref, acc_ref):
    z = _conv9(xm1, x0, xp1, wt, IN_NF, IN_NF)
    y = jnp.maximum(z, 0) + p[0, 0] * jnp.minimum(z, 0)
    y = y * sm[...]
    y_ref[...] = y
    part = jnp.dot(y.reshape(BH * W, IN_NF), wl[0],
                   preferred_element_type=jnp.float32)
    acc_ref[...] = part.reshape(BH, W, CO) + bl[0, 0]


def _conv_layer_body(xm1, x0, xp1, wt, p, sm, wl, accin, y_ref, acc_ref):
    z = _conv9(xm1, x0, xp1, wt, IN_NF, IN_NF)
    z = z * sm[...]
    y = jnp.maximum(z, 0) + p[0, 0] * jnp.minimum(z, 0)
    y_ref[...] = y
    part = jnp.dot(y.reshape(BH * W, IN_NF), wl[0],
                   preferred_element_type=jnp.float32)
    acc_ref[...] = accin[...] + part.reshape(BH, W, CO)


def _x3specs(c):
    return [
        pl.BlockSpec((BH, W, c), lambda i: (jnp.maximum(i - 1, 0), 0, 0)),
        pl.BlockSpec((BH, W, c), lambda i: (i, 0, 0)),
        pl.BlockSpec((BH, W, c),
                     lambda i: (jnp.minimum(i + 1, NBLK - 1), 0, 0)),
    ]


_FULL3 = lambda s: pl.BlockSpec(s, lambda i: (0, 0, 0))
_FULL2 = lambda s: pl.BlockSpec(s, lambda i: (0, 0))


def _conv_head(x, wt, p, sm, wl0, bl):
    return pl.pallas_call(
        _conv_head_body,
        grid=(NBLK,),
        in_specs=_x3specs(IN_NF) + [
            _FULL2((9 * 128, IN_NF)),
            _FULL3((1, 1, IN_NF)),
            pl.BlockSpec((BH, W, 1), lambda i: (i, 0, 0)),
            _FULL3((1, IN_NF, CO)),
            _FULL3((1, 1, CO)),
        ],
        out_specs=[
            pl.BlockSpec((BH, W, IN_NF), lambda i: (i, 0, 0)),
            pl.BlockSpec((BH, W, CO), lambda i: (i, 0, 0)),
        ],
        out_shape=[
            jax.ShapeDtypeStruct((H, W, IN_NF), jnp.float32),
            jax.ShapeDtypeStruct((H, W, CO), jnp.float32),
        ],
    )(x, x, x, wt, p, sm, wl0, bl)


def _conv_layer(x, wt, p, sm, wlk, accin):
    return pl.pallas_call(
        _conv_layer_body,
        grid=(NBLK,),
        in_specs=_x3specs(IN_NF) + [
            _FULL2((9 * 128, IN_NF)),
            _FULL3((1, 1, IN_NF)),
            pl.BlockSpec((BH, W, 1), lambda i: (i, 0, 0)),
            _FULL3((1, IN_NF, CO)),
            pl.BlockSpec((BH, W, CO), lambda i: (i, 0, 0)),
        ],
        out_specs=[
            pl.BlockSpec((BH, W, IN_NF), lambda i: (i, 0, 0)),
            pl.BlockSpec((BH, W, CO), lambda i: (i, 0, 0)),
        ],
        out_shape=[
            jax.ShapeDtypeStruct((H, W, IN_NF), jnp.float32),
            jax.ShapeDtypeStruct((H, W, CO), jnp.float32),
        ],
    )(x, x, x, wt, p, sm, wlk, accin)


def _conv_smn_body(xm1, x0, xp1, wt, b, smn_ref):
    z = _conv9(xm1, x0, xp1, wt, NF, 2)
    smn_ref[...] = z + b[0, 0]


def _conv_smn(f32ch, wt, b):
    return pl.pallas_call(
        _conv_smn_body,
        grid=(NBLK,),
        in_specs=_x3specs(NF) + [_FULL2((9 * 128, 2)), _FULL3((1, 1, 2))],
        out_specs=pl.BlockSpec((BH, W, 2), lambda i: (i, 0, 0)),
        out_shape=jax.ShapeDtypeStruct((H, W, 2), jnp.float32),
    )(f32ch, f32ch, f32ch, wt, b)


PBH = 8
NPB = H // PBH


def _updown(xm1, x0, xp1, i):
    mt = jnp.where(i > 0, 1.0, 0.0)
    mb = jnp.where(i < NPB - 1, 1.0, 0.0)
    top = xm1[PBH - 1:PBH] * mt + x0[0:1] * (1.0 - mt)
    bot = xp1[0:1] * mb + x0[PBH - 1:PBH] * (1.0 - mb)
    xv = jnp.concatenate([top, x0[...], bot], axis=0)
    up = 0.25 * xv[0:PBH] + 0.75 * xv[1:PBH + 1]
    dn = 0.75 * xv[1:PBH + 1] + 0.25 * xv[2:PBH + 2]
    return up, dn


def _lr(u):
    xl = jnp.concatenate([u[:, 0:1], u[:, 0:W - 1]], axis=1)
    xr = jnp.concatenate([u[:, 1:W], u[:, W - 1:W]], axis=1)
    return 0.25 * xl + 0.75 * u, 0.75 * u + 0.25 * xr


def _post_body(fm1, f0, fp1, sm1, s0, sp1, smref,
               p00, p01, p10, p11, m00, m01, m10, m11):
    i = pl.program_id(0)
    fu, fd = _updown(fm1, f0, fp1, i)
    su, sd = _updown(sm1, s0, sp1, i)
    sm = smref[...]
    for (fv, sv, pe, po, me, mo) in (
            (fu, su, p00, p01, m00, m01),
            (fd, sd, p10, p11, m10, m11)):
        fe, fo = _lr(fv)
        se, so = _lr(sv)
        pe[...] = fe
        po[...] = fo
        me[...] = (se[:, :, 0:1] > se[:, :, 1:2]).astype(jnp.float32) * sm
        mo[...] = (so[:, :, 0:1] > so[:, :, 1:2]).astype(jnp.float32) * sm


def _p3specs(c):
    return [
        pl.BlockSpec((PBH, W, c), lambda i: (jnp.maximum(i - 1, 0), 0, 0)),
        pl.BlockSpec((PBH, W, c), lambda i: (i, 0, 0)),
        pl.BlockSpec((PBH, W, c),
                     lambda i: (jnp.minimum(i + 1, NPB - 1), 0, 0)),
    ]


def _post(final, smn, sm):
    blk36 = pl.BlockSpec((PBH, W, CO), lambda i: (i, 0, 0))
    blk1 = pl.BlockSpec((PBH, W, 1), lambda i: (i, 0, 0))
    return pl.pallas_call(
        _post_body,
        grid=(NPB,),
        in_specs=_p3specs(CO) + _p3specs(2) + [blk1],
        out_specs=[blk36] * 4 + [blk1] * 4,
        out_shape=[jax.ShapeDtypeStruct((H, W, CO), jnp.float32)] * 4
        + [jax.ShapeDtypeStruct((H, W, 1), jnp.float32)] * 4,
    )(final, final, final, smn, smn, smn, sm)


def _interleave(p00, p01, p10, p11):
    c = p00.shape[-1]
    x = jnp.stack([p00, p01, p10, p11], axis=0).reshape(2, 2, H, W, c)
    return x.transpose(2, 0, 3, 1, 4).reshape(2 * H, 2 * W, c)


def _tap(wconv):
    t = wconv.transpose(2, 3, 1, 0)
    t = jnp.pad(t, ((0, 0), (0, 0), (0, 128 - t.shape[2]), (0, 0)))
    return t.reshape(9 * 128, wconv.shape[0])


def kernel(feat_0, feat_1, feat_dense, flow, space_mask, tau, use_sparsity,
           W_head, p_head, W_l0, p_l0, W_l1, p_l1, W_l2, p_l2, W_l3, p_l3,
           W_last, b_last, W_mask, b_mask):
    table = jnp.pad(jnp.concatenate([
        feat_0[0].transpose(1, 2, 0).reshape(HW, NF),
        feat_1[0].transpose(1, 2, 0).reshape(HW, NF)], axis=0),
        ((0, 0), (0, TD - NF)))
    fd = feat_dense[0].transpose(1, 2, 0)
    fl = flow[0].transpose(1, 2, 0)
    sm = space_mask[0, 0][:, :, None]
    wt_head = _tap(W_head)
    wts = [_tap(W_l0), _tap(W_l1), _tap(W_l2), _tap(W_l3)]
    pps = [p_l0, p_l1, p_l2, p_l3]
    wlast = W_last.reshape(CO, 5 * IN_NF).T.reshape(5, 1, IN_NF, CO)
    blast = b_last.reshape(1, 1, CO)
    wt_mask = _tap(W_mask)
    bmask = b_mask.reshape(1, 1, 2)

    idx8, w8 = _prep(fl)
    g = _gather_sc(table, idx8.reshape(GROWS))
    g4 = g.reshape(NCORN, H, W, TD)

    x = _combine(g4, w8, fd, fl)
    y, acc = _conv_head(x, wt_head, p_head.reshape(1, 1, IN_NF), sm,
                        wlast[0], blast)
    for k in range(4):
        y, acc = _conv_layer(y, wts[k], pps[k].reshape(1, 1, IN_NF), sm,
                             wlast[k + 1], acc)

    f32ch = acc[:, :, 4:CO]
    smn = _conv_smn(f32ch, wt_mask, bmask)
    p00, p01, p10, p11, m00, m01, m10, m11 = _post(acc, smn, sm)

    xup = _interleave(p00, p01, p10, p11)
    mup = _interleave(m00, m01, m10, m11)
    xup = xup.transpose(2, 0, 1)[None]
    flow_out = xup[:, :4]
    feat_t = xup[:, 4:]
    smn_final = mup.transpose(2, 0, 1)[None]
    return (flow_out, feat_t, smn_final)

# --- scband reference (transcript-rebuilt; emitter-appended) ---
"""Pipeline reference for scband-glblock-61340722922003 (READ-ONLY COPY).

The authoritative reference and input builder live on the scoring server;
editing this copy changes nothing except your own understanding.
"""

import jax, jax.numpy as jnp
import numpy as np

NF = 32
IN_NF = 100
N_LAYERS = 4
H = 224
W = 224


def warp(x, flo):
    # standard backward bilinear warp (grid_sample, align_corners=True, zero padding)
    B, C, Hh, Ww = x.shape
    gy, gx = jnp.meshgrid(jnp.arange(Hh, dtype=flo.dtype), jnp.arange(Ww, dtype=flo.dtype), indexing='ij')
    vx = gx[None, :, :] + flo[:, 0]
    vy = gy[None, :, :] + flo[:, 1]
    x0 = jnp.floor(vx)
    y0 = jnp.floor(vy)
    xf = x.reshape(B, C, Hh * Ww)

    def sample(xi, yi):
        valid = ((xi >= 0) & (xi <= Ww - 1) & (yi >= 0) & (yi <= Hh - 1)).astype(x.dtype)
        xc = jnp.clip(xi, 0, Ww - 1).astype(jnp.int32)
        yc = jnp.clip(yi, 0, Hh - 1).astype(jnp.int32)
        idx = (yc * Ww + xc).reshape(B, 1, Hh * Ww)
        g = jnp.take_along_axis(xf, jnp.broadcast_to(idx, (B, C, Hh * Ww)), axis=2).reshape(B, C, Hh, Ww)
        return g * valid[:, None, :, :]

    w00 = (x0 + 1 - vx) * (y0 + 1 - vy)
    w01 = (vx - x0) * (y0 + 1 - vy)
    w10 = (x0 + 1 - vx) * (vy - y0)
    w11 = (vx - x0) * (vy - y0)
    out = (sample(x0, y0) * w00[:, None] + sample(x0 + 1, y0) * w01[:, None]
           + sample(x0, y0 + 1) * w10[:, None] + sample(x0 + 1, y0 + 1) * w11[:, None])
    return out


def conv2d(x, w, b=None, pad=1):
    out = jax.lax.conv_general_dilated(x, w, (1, 1), [(pad, pad), (pad, pad)],
                                       dimension_numbers=('NCHW', 'OIHW', 'NCHW'))
    if b is not None:
        out = out + b.reshape(1, -1, 1, 1)
    return out


def prelu(x, p):
    return jnp.maximum(x, 0) + p.reshape(1, -1, 1, 1) * jnp.minimum(x, 0)


def nearest_up2(x):
    return jnp.repeat(jnp.repeat(x, 2, axis=2), 2, axis=3)


def bilinear_up2(x):
    B, C, h, w = x.shape
    return jax.image.resize(x, (B, C, 2 * h, 2 * w), method='linear')


def setup_inputs(seed: int = 0):
    key = jax.random.key(seed)
    ks = jax.random.split(key, 24)
    inp = {}
    inp['feat_0'] = jax.random.normal(ks[0], (1, NF, H, W), dtype=jnp.float32)
    inp['feat_1'] = jax.random.normal(ks[1], (1, NF, H, W), dtype=jnp.float32)
    inp['feat_dense'] = jax.random.normal(ks[2], (1, NF, H, W), dtype=jnp.float32)
    inp['flow'] = jax.random.normal(ks[3], (1, 4, H, W), dtype=jnp.float32)
    inp['space_mask'] = jax.random.uniform(ks[4], (1, 1, H, W), dtype=jnp.float32)
    inp['tau'] = 1
    inp['use_sparsity'] = 0
    inp['W_head'] = 0.05 * jax.random.normal(ks[5], (IN_NF, IN_NF, 3, 3), dtype=jnp.float32)
    inp['p_head'] = 0.25 * jnp.ones((IN_NF,), dtype=jnp.float32)
    for i in range(N_LAYERS):
        inp['W_l%d' % i] = 0.05 * jax.random.normal(ks[6 + i], (IN_NF, IN_NF, 3, 3), dtype=jnp.float32)
        inp['p_l%d' % i] = 0.25 * jnp.ones((IN_NF,), dtype=jnp.float32)
    inp['W_last'] = 0.05 * jax.random.normal(ks[12], (4 + NF, IN_NF * (N_LAYERS + 1), 1, 1), dtype=jnp.float32)
    inp['b_last'] = 0.01 * jax.random.normal(ks[13], (4 + NF,), dtype=jnp.float32)
    inp['W_mask'] = 0.05 * jax.random.normal(ks[14], (2, NF, 3, 3), dtype=jnp.float32)
    inp['b_mask'] = 0.01 * jax.random.normal(ks[15], (2,), dtype=jnp.float32)
    return inp


def reference(feat_0, feat_1, feat_dense, flow, space_mask, tau, use_sparsity,
              W_head, p_head, W_l0, p_l0, W_l1, p_l1, W_l2, p_l2, W_l3, p_l3,
              W_last, b_last, W_mask, b_mask):
    # use_sparsity == 0 (False) path; module in eval mode for the gating branch
    f0w = warp(feat_0, flow[:, :2])
    f1w = warp(feat_1, flow[:, 2:4])
    x = jnp.concatenate([f0w, f1w, feat_dense, flow], axis=1)
    smu = nearest_up2(space_mask)
    x = prelu(conv2d(x, W_head, pad=1), p_head)
    x = x * space_mask
    out_l = [x]
    Ws = [W_l0, W_l1, W_l2, W_l3]
    ps = [p_l0, p_l1, p_l2, p_l3]
    for i in range(N_LAYERS):
        x = conv2d(x, Ws[i], pad=1)
        x = x * space_mask
        x = prelu(x, ps[i])
        out_l.append(x)
    x = conv2d(jnp.concatenate(out_l, axis=1), W_last, b_last, pad=0)
    smn = conv2d(x[:, 4:], W_mask, b_mask, pad=1)
    x_up = bilinear_up2(x)
    smn_up = bilinear_up2(smn)
    feat_t = x_up[:, 4:]
    flow_out = x_up[:, :4]
    smn_final = (smn_up[:, :1] > smn_up[:, 1:]).astype(jnp.float32) * smu
    return (flow_out, feat_t, smn_final)

if __name__ == "__main__":
    import jax
    _d = setup_inputs()
    print(jax.jit(kernel)(*tuple(_d.values())))

</pallas_src>

<mosaic_0001>
#map = affine_map<(d0, d1) -> (0, 0)>
#map1 = affine_map<(d0, d1) -> (0)>
module attributes {stable_mosaic.version = 14 : i64} {
  func.func @k(%arg0: i32, %arg1: i32, %arg2: memref<100352x128xf32, #tpu.memory_space<hbm>>, %arg3: memref<401408xi32, #tpu.memory_space<hbm>>, %arg4: memref<401408x128xf32, #tpu.memory_space<hbm>>, %arg5: memref<784xi32, #tpu.memory_space<vmem>>, %arg6: memref<784x128xf32, #tpu.memory_space<vmem>>, %arg7: memref<!tpu.dma_semaphore, #tpu.memory_space<semaphore_mem>>) attributes {dimension_semantics = [#tpu.dimension_semantics<core_parallel>, #tpu.dimension_semantics<subcore_parallel>], iteration_bounds = array<i64: 2, 16>, scalar_prefetch = 0 : i64, scratch_operands = 3 : i64, tpu.core_type = #tpu.core_type<sc_vector_subcore>, window_params = [{transform_indices = #map}, {transform_indices = #map1}, {transform_indices = #map}]} {
    %mul3A = arith.constant 2 : i32
    %mul3A_0 = arith.muli %arg1, %mul3A : i32
    %add3A = arith.addi %mul3A_0, %arg0 : i32
    %mul3A_1 = arith.constant 12544 : i32
    %mul3A_2 = arith.muli %add3A, %mul3A_1 : i32
    %scan3A = arith.constant 0 : i32
    %scan3A_3 = arith.constant 0 : i32
    %scan3A_4 = arith.constant 16 : i32
    %scan3A_5 = arith.addi %scan3A_3, %scan3A_4 : i32
    %scan3A_6 = arith.constant 1 : i32
    scf.for %scan3A_8 = %scan3A_3 to %scan3A_5 step %scan3A_6  : i32 {
      %mul3A_9 = arith.constant 784 : i32
      %mul3A_10 = arith.muli %scan3A_8, %mul3A_9 : i32
      %add3A_11 = arith.addi %mul3A_2, %mul3A_10 : i32
      "tpu.region"() ({
        %run_scoped3A = tpu.sem_alloc : memref<!tpu.dma_semaphore, #tpu.memory_space<semaphore_mem>>
        %dma_start3A_16 = tpu.memref_slice %arg3[%add3A_11] : memref<401408xi32, #tpu.memory_space<hbm>> -> memref<784xi32, #tpu.memory_space<hbm>>
        %dma_start3A_17 = tpu.memref_slice %arg3[%add3A_11] : memref<401408xi32, #tpu.memory_space<hbm>> -> memref<784xi32, #tpu.memory_space<hbm>>
        tpu.enqueue_dma source(%dma_start3A_17 : memref<784xi32, #tpu.memory_space<hbm>>) target(%arg5 : memref<784xi32, #tpu.memory_space<vmem>>) target_semaphore(%run_scoped3A : memref<!tpu.dma_semaphore, #tpu.memory_space<semaphore_mem>>)
        %dma_wait3A_18 = tpu.memref_slice %arg3[%add3A_11] : memref<401408xi32, #tpu.memory_space<hbm>> -> memref<784xi32, #tpu.memory_space<hbm>>
        %dma_wait3A_19 = tpu.memref_slice %arg3[%add3A_11] : memref<401408xi32, #tpu.memory_space<hbm>> -> memref<784xi32, #tpu.memory_space<hbm>>
        tpu.wait_dma2 semaphore(%run_scoped3A : memref<!tpu.dma_semaphore, #tpu.memory_space<semaphore_mem>>) src(%dma_wait3A_19 : memref<784xi32, #tpu.memory_space<hbm>>) dst(%arg5 : memref<784xi32, #tpu.memory_space<vmem>>)
        tpu.yield
      }) : () -> ()
      %dma_start3A = arith.constant 0 : i32
      %dma_start3A_12 = arith.constant 0 : i32
      %dma_start3A_13 = tpu.memref_slice %arg2[%dma_start3A, %dma_start3A_12] : memref<100352x128xf32, #tpu.memory_space<hbm>> -> memref<100352x128xf32, #tpu.memory_space<hbm>>
      tpu.enqueue_indirect_dma source(%dma_start3A_13 : memref<100352x128xf32, #tpu.memory_space<hbm>>) target(%arg6 : memref<784x128xf32, #tpu.memory_space<vmem>>) offsets(%arg5 : memref<784xi32, #tpu.memory_space<vmem>>) semaphore(%arg7 : memref<!tpu.dma_semaphore, #tpu.memory_space<semaphore_mem>>)
      %dma_wait3A = arith.constant 0 : i32
      %dma_wait3A_14 = arith.constant 0 : i32
      %dma_wait3A_15 = tpu.memref_slice %arg2[%dma_wait3A, %dma_wait3A_14] : memref<100352x128xf32, #tpu.memory_space<hbm>> -> memref<100352x128xf32, #tpu.memory_space<hbm>>
      tpu.wait_indirect_dma semaphore(%arg7 : memref<!tpu.dma_semaphore, #tpu.memory_space<semaphore_mem>>) src(%dma_wait3A_15 : memref<100352x128xf32, #tpu.memory_space<hbm>>) dst(%arg6 : memref<784x128xf32, #tpu.memory_space<vmem>>)
      "tpu.region"() ({
        %run_scoped3A = tpu.sem_alloc : memref<!tpu.dma_semaphore, #tpu.memory_space<semaphore_mem>>
        %dma_start3A_16 = arith.constant 0 : i32
        %dma_start3A_17 = tpu.memref_slice %arg4[%add3A_11, %dma_start3A_16] : memref<401408x128xf32, #tpu.memory_space<hbm>> -> memref<784x128xf32, #tpu.memory_space<hbm>>
        %dma_start3A_18 = arith.constant 0 : i32
        %dma_start3A_19 = tpu.memref_slice %arg4[%add3A_11, %dma_start3A_18] : memref<401408x128xf32, #tpu.memory_space<hbm>> -> memref<784x128xf32, #tpu.memory_space<hbm>>
        tpu.enqueue_dma source(%arg6 : memref<784x128xf32, #tpu.memory_space<vmem>>) target(%dma_start3A_19 : memref<784x128xf32, #tpu.memory_space<hbm>>) target_semaphore(%run_scoped3A : memref<!tpu.dma_semaphore, #tpu.memory_space<semaphore_mem>>)
        %dma_wait3A_20 = arith.constant 0 : i32
        %dma_wait3A_21 = tpu.memref_slice %arg4[%add3A_11, %dma_wait3A_20] : memref<401408x128xf32, #tpu.memory_space<hbm>> -> memref<784x128xf32, #tpu.memory_space<hbm>>
        %dma_wait3A_22 = arith.constant 0 : i32
        %dma_wait3A_23 = tpu.memref_slice %arg4[%add3A_11, %dma_wait3A_22] : memref<401408x128xf32, #tpu.memory_space<hbm>> -> memref<784x128xf32, #tpu.memory_space<hbm>>
        tpu.wait_dma2 semaphore(%run_scoped3A : memref<!tpu.dma_semaphore, #tpu.memory_space<semaphore_mem>>) src(%arg6 : memref<784x128xf32, #tpu.memory_space<vmem>>) dst(%dma_wait3A_23 : memref<784x128xf32, #tpu.memory_space<hbm>>)
        tpu.yield
      }) : () -> ()
    }
    %scan3A_7 = arith.constant 16 : i32
    return
  }
}

module attributes {stable_mosaic.version = 14 : i64} {
  func.func @_prep_body(%arg0: i32, %arg1: memref<8x224x4xf32, #tpu.memory_space<vmem>>, %arg2: memref<8x8x224xi32, #tpu.memory_space<vmem>>, %arg3: memref<8x8x224xf32, #tpu.memory_space<vmem>>) attributes {dimension_semantics = [#tpu.dimension_semantics<arbitrary>], iteration_bounds = array<i64: 28>, scalar_prefetch = 0 : i64, scratch_operands = 0 : i64, tpu.core_type = #tpu.core_type<tc>, window_params = [{transform_indices = @transform_0, window_bounds = array<i64: 8, 224, 4>}, {transform_indices = @transform_1, window_bounds = array<i64: 8, 8, 224>}, {transform_indices = @transform_2, window_bounds = array<i64: 8, 8, 224>}]} {
    %iota3A = tpu.iota {dimensions = array<i32: 0>} : vector<8x224xi32>
    %mul3A = arith.constant 8 : i32
    %mul3A_0 = arith.muli %arg0, %mul3A : i32
    %add3A = vector.broadcast %mul3A_0 : i32 to vector<8x224xi32>
    %add3A_1 = arith.addi %iota3A, %add3A : vector<8x224xi32>
    %convert_element_type3A = arith.sitofp %add3A_1 : vector<8x224xi32> to vector<8x224xf32>
    %iota3A_2 = tpu.iota {dimensions = array<i32: 1>} : vector<8x224xi32>
    %convert_element_type3A_3 = arith.sitofp %iota3A_2 : vector<8x224xi32> to vector<8x224xf32>
    %get3A = arith.constant 0 : index
    %get3A_4 = arith.constant 0 : index
    %get3A_5 = arith.constant 0 : index
    %get3A_6 = vector.load %arg1[%get3A, %get3A_4, %get3A_5] : memref<8x224x4xf32, #tpu.memory_space<vmem>>, vector<8x224x1xf32>
    %get3A_7 = vector.shape_cast %get3A_6 : vector<8x224x1xf32> to vector<8x224xf32>
    %add3A_8 = arith.addf %convert_element_type3A_3, %get3A_7 : vector<8x224xf32>
    %get3A_9 = arith.constant 0 : index
    %get3A_10 = arith.constant 0 : index
    %get3A_11 = arith.constant 1 : index
    %get3A_12 = vector.load %arg1[%get3A_9, %get3A_10, %get3A_11] : memref<8x224x4xf32, #tpu.memory_space<vmem>>, vector<8x224x1xf32>
    %get3A_13 = vector.shape_cast %get3A_12 : vector<8x224x1xf32> to vector<8x224xf32>
    %add3A_14 = arith.addf %convert_element_type3A, %get3A_13 : vector<8x224xf32>
    %floor3A = math.floor %add3A_8 : vector<8x224xf32>
    %floor3A_15 = math.floor %add3A_14 : vector<8x224xf32>
    %sub3A = arith.subf %add3A_8, %floor3A : vector<8x224xf32>
    %sub3A_16 = arith.subf %add3A_14, %floor3A_15 : vector<8x224xf32>
    %add3A_17 = arith.constant 0.000000e+00 : f32
    %add3A_18 = vector.broadcast %add3A_17 : f32 to vector<8x224xf32>
    %add3A_19 = arith.addf %floor3A, %add3A_18 : vector<8x224xf32>
    %add3A_20 = arith.constant 0.000000e+00 : f32
    %add3A_21 = vector.broadcast %add3A_20 : f32 to vector<8x224xf32>
    %add3A_22 = arith.addf %floor3A_15, %add3A_21 : vector<8x224xf32>
    %ge3A = arith.constant 0.000000e+00 : f32
    %ge3A_23 = vector.broadcast %ge3A : f32 to vector<8x224xf32>
    %ge3A_24 = arith.cmpf oge, %add3A_19, %ge3A_23 : vector<8x224xf32>
    %le3A = arith.constant 2.230000e+02 : f32
    %le3A_25 = vector.broadcast %le3A : f32 to vector<8x224xf32>
    %le3A_26 = arith.cmpf ole, %add3A_19, %le3A_25 : vector<8x224xf32>
    %and3A = arith.andi %ge3A_24, %le3A_26 : vector<8x224xi1>
    %ge3A_27 = arith.constant 0.000000e+00 : f32
    %ge3A_28 = vector.broadcast %ge3A_27 : f32 to vector<8x224xf32>
    %ge3A_29 = arith.cmpf oge, %add3A_22, %ge3A_28 : vector<8x224xf32>
    %and3A_30 = arith.andi %and3A, %ge3A_29 : vector<8x224xi1>
    %le3A_31 = arith.constant 2.230000e+02 : f32
    %le3A_32 = vector.broadcast %le3A_31 : f32 to vector<8x224xf32>
    %le3A_33 = arith.cmpf ole, %add3A_22, %le3A_32 : vector<8x224xf32>
    %and3A_34 = arith.andi %and3A_30, %le3A_33 : vector<8x224xi1>
    %jit3A = arith.constant 0 : i32
    %jit3A_35 = arith.constant 223 : i32
    %convert_element_type3A_36 = arith.sitofp %jit3A : i32 to f32
    %max3A = vector.broadcast %convert_element_type3A_36 : f32 to vector<8x224xf32>
    %max3A_37 = arith.maximumf %max3A, %add3A_19 : vector<8x224xf32>
    %convert_element_type3A_38 = arith.sitofp %jit3A_35 : i32 to f32
    %min3A = vector.broadcast %convert_element_type3A_38 : f32 to vector<8x224xf32>
    %min3A_39 = arith.minimumf %min3A, %max3A_37 : vector<8x224xf32>
    %convert_element_type3A_40 = arith.fptosi %min3A_39 : vector<8x224xf32> to vector<8x224xi32>
    %jit3A_41 = arith.constant 0 : i32
    %jit3A_42 = arith.constant 223 : i32
    %convert_element_type3A_43 = arith.sitofp %jit3A_41 : i32 to f32
    %max3A_44 = vector.broadcast %convert_element_type3A_43 : f32 to vector<8x224xf32>
    %max3A_45 = arith.maximumf %max3A_44, %add3A_22 : vector<8x224xf32>
    %convert_element_type3A_46 = arith.sitofp %jit3A_42 : i32 to f32
    %min3A_47 = vector.broadcast %convert_element_type3A_46 : f32 to vector<8x224xf32>
    %min3A_48 = arith.minimumf %min3A_47, %max3A_45 : vector<8x224xf32>
    %convert_element_type3A_49 = arith.fptosi %min3A_48 : vector<8x224xf32> to vector<8x224xi32>
    %sub3A_50 = arith.constant 1.000000e+00 : f32
    %sub3A_51 = vector.broadcast %sub3A_50 : f32 to vector<8x224xf32>
    %sub3A_52 = arith.subf %sub3A_51, %sub3A : vector<8x224xf32>
    %sub3A_53 = arith.constant 1.000000e+00 : f32
    %sub3A_54 = vector.broadcast %sub3A_53 : f32 to vector<8x224xf32>
    %sub3A_55 = arith.subf %sub3A_54, %sub3A_16 : vector<8x224xf32>
    %mul3A_56 = arith.constant 224 : i32
    %mul3A_57 = vector.broadcast %mul3A_56 : i32 to vector<8x224xi32>
    %mul3A_58 = arith.muli %convert_element_type3A_49, %mul3A_57 : vector<8x224xi32>
    %add3A_59 = arith.addi %mul3A_58, %convert_element_type3A_40 : vector<8x224xi32>
    %add3A_60 = arith.constant 0 : i32
    %add3A_61 = vector.broadcast %add3A_60 : i32 to vector<8x224xi32>
    %add3A_62 = arith.addi %add3A_59, %add3A_61 : vector<8x224xi32>
    %swap3A = arith.constant 0 : index
    %swap3A_63 = arith.constant 0 : index
    %swap3A_64 = arith.constant 0 : index
    %swap3A_65 = vector.load %arg2[%swap3A, %swap3A_63, %swap3A_64] : memref<8x8x224xi32, #tpu.memory_space<vmem>>, vector<1x8x224xi32>
    %swap3A_66 = vector.shape_cast %swap3A_65 : vector<1x8x224xi32> to vector<8x224xi32>
    %swap3A_67 = vector.shape_cast %add3A_62 : vector<8x224xi32> to vector<1x8x224xi32>
    tpu.vector_store %arg2[%swap3A, %swap3A_63, %swap3A_64], %swap3A_67 {strides = array<i32>} : memref<8x8x224xi32, #tpu.memory_space<vmem>>, vector<1x8x224xi32>,
    %mul3A_68 = arith.mulf %sub3A_52, %sub3A_55 : vector<8x224xf32>
    %convert_element_type3A_69 = arith.extui %and3A_34 : vector<8x224xi1> to vector<8x224xi32>
    %convert_element_type3A_70 = arith.sitofp %convert_element_type3A_69 : vector<8x224xi32> to vector<8x224xf32>
    %mul3A_71 = arith.mulf %mul3A_68, %convert_element_type3A_70 : vector<8x224xf32>
    %swap3A_72 = arith.constant 0 : index
    %swap3A_73 = arith.constant 0 : index
    %swap3A_74 = arith.constant 0 : index
    %swap3A_75 = vector.load %arg3[%swap3A_72, %swap3A_73, %swap3A_74] : memref<8x8x224xf32, #tpu.memory_space<vmem>>, vector<1x8x224xf32>
    %swap3A_76 = vector.shape_cast %swap3A_75 : vector<1x8x224xf32> to vector<8x224xf32>
    %swap3A_77 = vector.shape_cast %mul3A_71 : vector<8x224xf32> to vector<1x8x224xf32>
    tpu.vector_store %arg3[%swap3A_72, %swap3A_73, %swap3A_74], %swap3A_77 {strides = array<i32>} : memref<8x8x224xf32, #tpu.memory_space<vmem>>, vector<1x8x224xf32>,
    %add3A_78 = arith.constant 1.000000e+00 : f32
    %add3A_79 = vector.broadcast %add3A_78 : f32 to vector<8x224xf32>
    %add3A_80 = arith.addf %floor3A, %add3A_79 : vector<8x224xf32>
    %add3A_81 = arith.constant 0.000000e+00 : f32
    %add3A_82 = vector.broadcast %add3A_81 : f32 to vector<8x224xf32>
    %add3A_83 = arith.addf %floor3A_15, %add3A_82 : vector<8x224xf32>
    %ge3A_84 = arith.constant 0.000000e+00 : f32
    %ge3A_85 = vector.broadcast %ge3A_84 : f32 to vector<8x224xf32>
    %ge3A_86 = arith.cmpf oge, %add3A_80, %ge3A_85 : vector<8x224xf32>
    %le3A_87 = arith.constant 2.230000e+02 : f32
    %le3A_88 = vector.broadcast %le3A_87 : f32 to vector<8x224xf32>
    %le3A_89 = arith.cmpf ole, %add3A_80, %le3A_88 : vector<8x224xf32>
    %and3A_90 = arith.andi %ge3A_86, %le3A_89 : vector<8x224xi1>
    %ge3A_91 = arith.constant 0.000000e+00 : f32
    %ge3A_92 = vector.broadcast %ge3A_91 : f32 to vector<8x224xf32>
    %ge3A_93 = arith.cmpf oge, %add3A_83, %ge3A_92 : vector<8x224xf32>
    %and3A_94 = arith.andi %and3A_90, %ge3A_93 : vector<8x224xi1>
    %le3A_95 = arith.constant 2.230000e+02 : f32
    %le3A_96 = vector.broadcast %le3A_95 : f32 to vector<8x224xf32>
    %le3A_97 = arith.cmpf ole, %add3A_83, %le3A_96 : vector<8x224xf32>
    %and3A_98 = arith.andi %and3A_94, %le3A_97 : vector<8x224xi1>
    %jit3A_99 = arith.constant 0 : i32
    %jit3A_100 = arith.constant 223 : i32
    %convert_element_type3A_101 = arith.sitofp %jit3A_99 : i32 to f32
    %max3A_102 = vector.broadcast %convert_element_type3A_101 : f32 to vector<8x224xf32>
    %max3A_103 = arith.maximumf %max3A_102, %add3A_80 : vector<8x224xf32>
    %convert_element_type3A_104 = arith.sitofp %jit3A_100 : i32 to f32
    %min3A_105 = vector.broadcast %convert_element_type3A_104 : f32 to vector<8x224xf32>
    %min3A_106 = arith.minimumf %min3A_105, %max3A_103 : vector<8x224xf32>
    %convert_element_type3A_107 = arith.fptosi %min3A_106 : vector<8x224xf32> to vector<8x224xi32>
    %jit3A_108 = arith.constant 0 : i32
    %jit3A_109 = arith.constant 223 : i32
    %convert_element_type3A_110 = arith.sitofp %jit3A_108 : i32 to f32
    %max3A_111 = vector.broadcast %convert_element_type3A_110 : f32 to vector<8x224xf32>
    %max3A_112 = arith.maximumf %max3A_111, %add3A_83 : vector<8x224xf32>
    %convert_element_type3A_113 = arith.sitofp %jit3A_109 : i32 to f32
    %min3A_114 = vector.broadcast %convert_element_type3A_113 : f32 to vector<8x224xf32>
    %min3A_115 = arith.minimumf %min3A_114, %max3A_112 : vector<8x224xf32>
    %convert_element_type3A_116 = arith.fptosi %min3A_115 : vector<8x224xf32> to vector<8x224xi32>
    %sub3A_117 = arith.constant 1.000000e+00 : f32
    %sub3A_118 = vector.broadcast %sub3A_117 : f32 to vector<8x224xf32>
    %sub3A_119 = arith.subf %sub3A_118, %sub3A_16 : vector<8x224xf32>
    %mul3A_120 = arith.constant 224 : i32
    %mul3A_121 = vector.broadcast %mul3A_120 : i32 to vector<8x224xi32>
    %mul3A_122 = arith.muli %convert_element_type3A_116, %mul3A_121 : vector<8x224xi32>
    %add3A_123 = arith.addi %mul3A_122, %convert_element_type3A_107 : vector<8x224xi32>
    %add3A_124 = arith.constant 0 : i32
    %add3A_125 = vector.broadcast %add3A_124 : i32 to vector<8x224xi32>
    %add3A_126 = arith.addi %add3A_123, %add3A_125 : vector<8x224xi32>
    %swap3A_127 = arith.constant 1 : index
    %swap3A_128 = arith.constant 0 : index
    %swap3A_129 = arith.constant 0 : index
    %swap3A_130 = vector.load %arg2[%swap3A_127, %swap3A_128, %swap3A_129] : memref<8x8x224xi32, #tpu.memory_space<vmem>>, vector<1x8x224xi32>
    %swap3A_131 = vector.shape_cast %swap3A_130 : vector<1x8x224xi32> to vector<8x224xi32>
    %swap3A_132 = vector.shape_cast %add3A_126 : vector<8x224xi32> to vector<1x8x224xi32>
    tpu.vector_store %arg2[%swap3A_127, %swap3A_128, %swap3A_129], %swap3A_132 {strides = array<i32>} : memref<8x8x224xi32, #tpu.memory_space<vmem>>, vector<1x8x224xi32>,
    %mul3A_133 = arith.mulf %sub3A, %sub3A_119 : vector<8x224xf32>
    %convert_element_type3A_134 = arith.extui %and3A_98 : vector<8x224xi1> to vector<8x224xi32>
    %convert_element_type3A_135 = arith.sitofp %convert_element_type3A_134 : vector<8x224xi32> to vector<8x224xf32>
    %mul3A_136 = arith.mulf %mul3A_133, %convert_element_type3A_135 : vector<8x224xf32>
    %swap3A_137 = arith.constant 1 : index
    %swap3A_138 = arith.constant 0 : index
    %swap3A_139 = arith.constant 0 : index
    %swap3A_140 = vector.load %arg3[%swap3A_137, %swap3A_138, %swap3A_139] : memref<8x8x224xf32, #tpu.memory_space<vmem>>, vector<1x8x224xf32>
    %swap3A_141 = vector.shape_cast %swap3A_140 : vector<1x8x224xf32> to vector<8x224xf32>
    %swap3A_142 = vector.shape_cast %mul3A_136 : vector<8x224xf32> to vector<1x8x224xf32>
    tpu.vector_store %arg3[%swap3A_137, %swap3A_138, %swap3A_139], %swap3A_142 {strides = array<i32>} : memref<8x8x224xf32, #tpu.memory_space<vmem>>, vector<1x8x224xf32>,
    %add3A_143 = arith.constant 0.000000e+00 : f32
    %add3A_144 = vector.broadcast %add3A_143 : f32 to vector<8x224xf32>
    %add3A_145 = arith.addf %floor3A, %add3A_144 : vector<8x224xf32>
    %add3A_146 = arith.constant 1.000000e+00 : f32
    %add3A_147 = vector.broadcast %add3A_146 : f32 to vector<8x224xf32>
    %add3A_148 = arith.addf %floor3A_15, %add3A_147 : vector<8x224xf32>
    %ge3A_149 = arith.constant 0.000000e+00 : f32
    %ge3A_150 = vector.broadcast %ge3A_149 : f32 to vector<8x224xf32>
    %ge3A_151 = arith.cmpf oge, %add3A_145, %ge3A_150 : vector<8x224xf32>
    %le3A_152 = arith.constant 2.230000e+02 : f32
    %le3A_153 = vector.broadcast %le3A_152 : f32 to vector<8x224xf32>
    %le3A_154 = arith.cmpf ole, %add3A_145, %le3A_153 : vector<8x224xf32>
    %and3A_155 = arith.andi %ge3A_151, %le3A_154 : vector<8x224xi1>
    %ge3A_156 = arith.constant 0.000000e+00 : f32
    %ge3A_157 = vector.broadcast %ge3A_156 : f32 to vector<8x224xf32>
    %ge3A_158 = arith.cmpf oge, %add3A_148, %ge3A_157 : vector<8x224xf32>
    %and3A_159 = arith.andi %and3A_155, %ge3A_158 : vector<8x224xi1>
    %le3A_160 = arith.constant 2.230000e+02 : f32
    %le3A_161 = vector.broadcast %le3A_160 : f32 to vector<8x224xf32>
    %le3A_162 = arith.cmpf ole, %add3A_148, %le3A_161 : vector<8x224xf32>
    %and3A_163 = arith.andi %and3A_159, %le3A_162 : vector<8x224xi1>
    %jit3A_164 = arith.constant 0 : i32
    %jit3A_165 = arith.constant 223 : i32
    %convert_element_type3A_166 = arith.sitofp %jit3A_164 : i32 to f32
    %max3A_167 = vector.broadcast %convert_element_type3A_166 : f32 to vector<8x224xf32>
    %max3A_168 = arith.maximumf %max3A_167, %add3A_145 : vector<8x224xf32>
    %convert_element_type3A_169 = arith.sitofp %jit3A_165 : i32 to f32
    %min3A_170 = vector.broadcast %convert_element_type3A_169 : f32 to vector<8x224xf32>
    %min3A_171 = arith.minimumf %min3A_170, %max3A_168 : vector<8x224xf32>
    %convert_element_type3A_172 = arith.fptosi %min3A_171 : vector<8x224xf32> to vector<8x224xi32>
    %jit3A_173 = arith.constant 0 : i32
    %jit3A_174 = arith.constant 223 : i32
    %convert_element_type3A_175 = arith.sitofp %jit3A_173 : i32 to f32
    %max3A_176 = vector.broadcast %convert_element_type3A_175 : f32 to vector<8x224xf32>
    %max3A_177 = arith.maximumf %max3A_176, %add3A_148 : vector<8x224xf32>
    %convert_element_type3A_178 = arith.sitofp %jit3A_174 : i32 to f32
    %min3A_179 = vector.broadcast %convert_element_type3A_178 : f32 to vector<8x224xf32>
    %min3A_180 = arith.minimumf %min3A_179, %max3A_177 : vector<8x224xf32>
    %convert_element_type3A_181 = arith.fptosi %min3A_180 : vector<8x224xf32> to vector<8x224xi32>
    %sub3A_182 = arith.constant 1.000000e+00 : f32
    %sub3A_183 = vector.broadcast %sub3A_182 : f32 to vector<8x224xf32>
    %sub3A_184 = arith.subf %sub3A_183, %sub3A : vector<8x224xf32>
    %mul3A_185 = arith.constant 224 : i32
    %mul3A_186 = vector.broadcast %mul3A_185 : i32 to vector<8x224xi32>
    %mul3A_187 = arith.muli %convert_element_type3A_181, %mul3A_186 : vector<8x224xi32>
    %add3A_188 = arith.addi %mul3A_187, %convert_element_type3A_172 : vector<8x224xi32>
    %add3A_189 = arith.constant 0 : i32
    %add3A_190 = vector.broadcast %add3A_189 : i32 to vector<8x224xi32>
    %add3A_191 = arith.addi %add3A_188, %add3A_190 : vector<8x224xi32>
    %swap3A_192 = arith.constant 2 : index
    %swap3A_193 = arith.constant 0 : index
    %swap3A_194 = arith.constant 0 : index
    %swap3A_195 = vector.load %arg2[%swap3A_192, %swap3A_193, %swap3A_194] : memref<8x8x224xi32, #tpu.memory_space<vmem>>, vector<1x8x224xi32>
    %swap3A_196 = vector.shape_cast %swap3A_195 : vector<1x8x224xi32> to vector<8x224xi32>
    %swap3A_197 = vector.shape_cast %add3A_191 : vector<8x224xi32> to vector<1x8x224xi32>
    tpu.vector_store %arg2[%swap3A_192, %swap3A_193, %swap3A_194], %swap3A_197 {strides = array<i32>} : memref<8x8x224xi32, #tpu.memory_space<vmem>>, vector<1x8x224xi32>,
    %mul3A_198 = arith.mulf %sub3A_184, %sub3A_16 : vector<8x224xf32>
    %convert_element_type3A_199 = arith.extui %and3A_163 : vector<8x224xi1> to vector<8x224xi32>
    %convert_element_type3A_200 = arith.sitofp %convert_element_type3A_199 : vector<8x224xi32> to vector<8x224xf32>
    %mul3A_201 = arith.mulf %mul3A_198, %convert_element_type3A_200 : vector<8x224xf32>
    %swap3A_202 = arith.constant 2 : index
    %swap3A_203 = arith.constant 0 : index
    %swap3A_204 = arith.constant 0 : index
    %swap3A_205 = vector.load %arg3[%swap3A_202, %swap3A_203, %swap3A_204] : memref<8x8x224xf32, #tpu.memory_space<vmem>>, vector<1x8x224xf32>
    %swap3A_206 = vector.shape_cast %swap3A_205 : vector<1x8x224xf32> to vector<8x224xf32>
    %swap3A_207 = vector.shape_cast %mul3A_201 : vector<8x224xf32> to vector<1x8x224xf32>
    tpu.vector_store %arg3[%swap3A_202, %swap3A_203, %swap3A_204], %swap3A_207 {strides = array<i32>} : memref<8x8x224xf32, #tpu.memory_space<vmem>>, vector<1x8x224xf32>,
    %add3A_208 = arith.constant 1.000000e+00 : f32
    %add3A_209 = vector.broadcast %add3A_208 : f32 to vector<8x224xf32>
    %add3A_210 = arith.addf %floor3A, %add3A_209 : vector<8x224xf32>
    %add3A_211 = arith.constant 1.000000e+00 : f32
    %add3A_212 = vector.broadcast %add3A_211 : f32 to vector<8x224xf32>
    %add3A_213 = arith.addf %floor3A_15, %add3A_212 : vector<8x224xf32>
    %ge3A_214 = arith.constant 0.000000e+00 : f32
    %ge3A_215 = vector.broadcast %ge3A_214 : f32 to vector<8x224xf32>
    %ge3A_216 = arith.cmpf oge, %add3A_210, %ge3A_215 : vector<8x224xf32>
    %le3A_217 = arith.constant 2.230000e+02 : f32
    %le3A_218 = vector.broadcast %le3A_217 : f32 to vector<8x224xf32>
    %le3A_219 = arith.cmpf ole, %add3A_210, %le3A_218 : vector<8x224xf32>
    %and3A_220 = arith.andi %ge3A_216, %le3A_219 : vector<8x224xi1>
    %ge3A_221 = arith.constant 0.000000e+00 : f32
    %ge3A_222 = vector.broadcast %ge3A_221 : f32 to vector<8x224xf32>
    %ge3A_223 = arith.cmpf oge, %add3A_213, %ge3A_222 : vector<8x224xf32>
    %and3A_224 = arith.andi %and3A_220, %ge3A_223 : vector<8x224xi1>
    %le3A_225 = arith.constant 2.230000e+02 : f32
    %le3A_226 = vector.broadcast %le3A_225 : f32 to vector<8x224xf32>
    %le3A_227 = arith.cmpf ole, %add3A_213, %le3A_226 : vector<8x224xf32>
    %and3A_228 = arith.andi %and3A_224, %le3A_227 : vector<8x224xi1>
    %jit3A_229 = arith.constant 0 : i32
    %jit3A_230 = arith.constant 223 : i32
    %convert_element_type3A_231 = arith.sitofp %jit3A_229 : i32 to f32
    %max3A_232 = vector.broadcast %convert_element_type3A_231 : f32 to vector<8x224xf32>
    %max3A_233 = arith.maximumf %max3A_232, %add3A_210 : vector<8x224xf32>
    %convert_element_type3A_234 = arith.sitofp %jit3A_230 : i32 to f32
    %min3A_235 = vector.broadcast %convert_element_type3A_234 : f32 to vector<8x224xf32>
    %min3A_236 = arith.minimumf %min3A_235, %max3A_233 : vector<8x224xf32>
    %convert_element_type3A_237 = arith.fptosi %min3A_236 : vector<8x224xf32> to vector<8x224xi32>
    %jit3A_238 = arith.constant 0 : i32
    %jit3A_239 = arith.constant 223 : i32
    %convert_element_type3A_240 = arith.sitofp %jit3A_238 : i32 to f32
    %max3A_241 = vector.broadcast %convert_element_type3A_240 : f32 to vector<8x224xf32>
    %max3A_242 = arith.maximumf %max3A_241, %add3A_213 : vector<8x224xf32>
    %convert_element_type3A_243 = arith.sitofp %jit3A_239 : i32 to f32
    %min3A_244 = vector.broadcast %convert_element_type3A_243 : f32 to vector<8x224xf32>
    %min3A_245 = arith.minimumf %min3A_244, %max3A_242 : vector<8x224xf32>
    %convert_element_type3A_246 = arith.fptosi %min3A_245 : vector<8x224xf32> to vector<8x224xi32>
    %mul3A_247 = arith.constant 224 : i32
    %mul3A_248 = vector.broadcast %mul3A_247 : i32 to vector<8x224xi32>
    %mul3A_249 = arith.muli %convert_element_type3A_246, %mul3A_248 : vector<8x224xi32>
    %add3A_250 = arith.addi %mul3A_249, %convert_element_type3A_237 : vector<8x224xi32>
    %add3A_251 = arith.constant 0 : i32
    %add3A_252 = vector.broadcast %add3A_251 : i32 to vector<8x224xi32>
    %add3A_253 = arith.addi %add3A_250, %add3A_252 : vector<8x224xi32>
    %swap3A_254 = arith.constant 3 : index
    %swap3A_255 = arith.constant 0 : index
    %swap3A_256 = arith.constant 0 : index
    %swap3A_257 = vector.load %arg2[%swap3A_254, %swap3A_255, %swap3A_256] : memref<8x8x224xi32, #tpu.memory_space<vmem>>, vector<1x8x224xi32>
    %swap3A_258 = vector.shape_cast %swap3A_257 : vector<1x8x224xi32> to vector<8x224xi32>
    %swap3A_259 = vector.shape_cast %add3A_253 : vector<8x224xi32> to vector<1x8x224xi32>
    tpu.vector_store %arg2[%swap3A_254, %swap3A_255, %swap3A_256], %swap3A_259 {strides = array<i32>} : memref<8x8x224xi32, #tpu.memory_space<vmem>>, vector<1x8x224xi32>,
    %mul3A_260 = arith.mulf %sub3A, %sub3A_16 : vector<8x224xf32>
    %convert_element_type3A_261 = arith.extui %and3A_228 : vector<8x224xi1> to vector<8x224xi32>
    %convert_element_type3A_262 = arith.sitofp %convert_element_type3A_261 : vector<8x224xi32> to vector<8x224xf32>
    %mul3A_263 = arith.mulf %mul3A_260, %convert_element_type3A_262 : vector<8x224xf32>
    %swap3A_264 = arith.constant 3 : index
    %swap3A_265 = arith.constant 0 : index
    %swap3A_266 = arith.constant 0 : index
    %swap3A_267 = vector.load %arg3[%swap3A_264, %swap3A_265, %swap3A_266] : memref<8x8x224xf32, #tpu.memory_space<vmem>>, vector<1x8x224xf32>
    %swap3A_268 = vector.shape_cast %swap3A_267 : vector<1x8x224xf32> to vector<8x224xf32>
    %swap3A_269 = vector.shape_cast %mul3A_263 : vector<8x224xf32> to vector<1x8x224xf32>
    tpu.vector_store %arg3[%swap3A_264, %swap3A_265, %swap3A_266], %swap3A_269 {strides = array<i32>} : memref<8x8x224xf32, #tpu.memory_space<vmem>>, vector<1x8x224xf32>,
    %get3A_270 = arith.constant 0 : index
    %get3A_271 = arith.constant 0 : index
    %get3A_272 = arith.constant 2 : index
    %get3A_273 = vector.load %arg1[%get3A_270, %get3A_271, %get3A_272] : memref<8x224x4xf32, #tpu.memory_space<vmem>>, vector<8x224x1xf32>
    %get3A_274 = vector.shape_cast %get3A_273 : vector<8x224x1xf32> to vector<8x224xf32>
    %add3A_275 = arith.addf %convert_element_type3A_3, %get3A_274 : vector<8x224xf32>
    %get3A_276 = arith.constant 0 : index
    %get3A_277 = arith.constant 0 : index
    %get3A_278 = arith.constant 3 : index
    %get3A_279 = vector.load %arg1[%get3A_276, %get3A_277, %get3A_278] : memref<8x224x4xf32, #tpu.memory_space<vmem>>, vector<8x224x1xf32>
    %get3A_280 = vector.shape_cast %get3A_279 : vector<8x224x1xf32> to vector<8x224xf32>
    %add3A_281 = arith.addf %convert_element_type3A, %get3A_280 : vector<8x224xf32>
    %floor3A_282 = math.floor %add3A_275 : vector<8x224xf32>
    %floor3A_283 = math.floor %add3A_281 : vector<8x224xf32>
    %sub3A_284 = arith.subf %add3A_275, %floor3A_282 : vector<8x224xf32>
    %sub3A_285 = arith.subf %add3A_281, %floor3A_283 : vector<8x224xf32>
    %add3A_286 = arith.constant 0.000000e+00 : f32
    %add3A_287 = vector.broadcast %add3A_286 : f32 to vector<8x224xf32>
    %add3A_288 = arith.addf %floor3A_282, %add3A_287 : vector<8x224xf32>
    %add3A_289 = arith.constant 0.000000e+00 : f32
    %add3A_290 = vector.broadcast %add3A_289 : f32 to vector<8x224xf32>
    %add3A_291 = arith.addf %floor3A_283, %add3A_290 : vector<8x224xf32>
    %ge3A_292 = arith.constant 0.000000e+00 : f32
    %ge3A_293 = vector.broadcast %ge3A_292 : f32 to vector<8x224xf32>
    %ge3A_294 = arith.cmpf oge, %add3A_288, %ge3A_293 : vector<8x224xf32>
    %le3A_295 = arith.constant 2.230000e+02 : f32
    %le3A_296 = vector.broadcast %le3A_295 : f32 to vector<8x224xf32>
    %le3A_297 = arith.cmpf ole, %add3A_288, %le3A_296 : vector<8x224xf32>
    %and3A_298 = arith.andi %ge3A_294, %le3A_297 : vector<8x224xi1>
    %ge3A_299 = arith.constant 0.000000e+00 : f32
    %ge3A_300 = vector.broadcast %ge3A_299 : f32 to vector<8x224xf32>
    %ge3A_301 = arith.cmpf oge, %add3A_291, %ge3A_300 : vector<8x224xf32>
    %and3A_302 = arith.andi %and3A_298, %ge3A_301 : vector<8x224xi1>
    %le3A_303 = arith.constant 2.230000e+02 : f32
    %le3A_304 = vector.broadcast %le3A_303 : f32 to vector<8x224xf32>
    %le3A_305 = arith.cmpf ole, %add3A_291, %le3A_304 : vector<8x224xf32>
    %and3A_306 = arith.andi %and3A_302, %le3A_305 : vector<8x224xi1>
    %jit3A_307 = arith.constant 0 : i32
    %jit3A_308 = arith.constant 223 : i32
    %convert_element_type3A_309 = arith.sitofp %jit3A_307 : i32 to f32
    %max3A_310 = vector.broadcast %convert_element_type3A_309 : f32 to vector<8x224xf32>
    %max3A_311 = arith.maximumf %max3A_310, %add3A_288 : vector<8x224xf32>
    %convert_element_type3A_312 = arith.sitofp %jit3A_308 : i32 to f32
    %min3A_313 = vector.broadcast %convert_element_type3A_312 : f32 to vector<8x224xf32>
    %min3A_314 = arith.minimumf %min3A_313, %max3A_311 : vector<8x224xf32>
    %convert_element_type3A_315 = arith.fptosi %min3A_314 : vector<8x224xf32> to vector<8x224xi32>
    %jit3A_316 = arith.constant 0 : i32
    %jit3A_317 = arith.constant 223 : i32
    %convert_element_type3A_318 = arith.sitofp %jit3A_316 : i32 to f32
    %max3A_319 = vector.broadcast %convert_element_type3A_318 : f32 to vector<8x224xf32>
    %max3A_320 = arith.maximumf %max3A_319, %add3A_291 : vector<8x224xf32>
    %convert_element_type3A_321 = arith.sitofp %jit3A_317 : i32 to f32
    %min3A_322 = vector.broadcast %convert_element_type3A_321 : f32 to vector<8x224xf32>
    %min3A_323 = arith.minimumf %min3A_322, %max3A_320 : vector<8x224xf32>
    %convert_element_type3A_324 = arith.fptosi %min3A_323 : vector<8x224xf32> to vector<8x224xi32>
    %sub3A_325 = arith.constant 1.000000e+00 : f32
    %sub3A_326 = vector.broadcast %sub3A_325 : f32 to vector<8x224xf32>
    %sub3A_327 = arith.subf %sub3A_326, %sub3A_284 : vector<8x224xf32>
    %sub3A_328 = arith.constant 1.000000e+00 : f32
    %sub3A_329 = vector.broadcast %sub3A_328 : f32 to vector<8x224xf32>
    %sub3A_330 = arith.subf %sub3A_329, %sub3A_285 : vector<8x224xf32>
    %mul3A_331 = arith.constant 224 : i32
    %mul3A_332 = vector.broadcast %mul3A_331 : i32 to vector<8x224xi32>
    %mul3A_333 = arith.muli %convert_element_type3A_324, %mul3A_332 : vector<8x224xi32>
    %add3A_334 = arith.addi %mul3A_333, %convert_element_type3A_315 : vector<8x224xi32>
    %add3A_335 = arith.constant 50176 : i32
    %add3A_336 = vector.broadcast %add3A_335 : i32 to vector<8x224xi32>
    %add3A_337 = arith.addi %add3A_334, %add3A_336 : vector<8x224xi32>
    %swap3A_338 = arith.constant 4 : index
    %swap3A_339 = arith.constant 0 : index
    %swap3A_340 = arith.constant 0 : index
    %swap3A_341 = vector.load %arg2[%swap3A_338, %swap3A_339, %swap3A_340] : memref<8x8x224xi32, #tpu.memory_space<vmem>>, vector<1x8x224xi32>
    %swap3A_342 = vector.shape_cast %swap3A_341 : vector<1x8x224xi32> to vector<8x224xi32>
    %swap3A_343 = vector.shape_cast %add3A_337 : vector<8x224xi32> to vector<1x8x224xi32>
    tpu.vector_store %arg2[%swap3A_338, %swap3A_339, %swap3A_340], %swap3A_343 {strides = array<i32>} : memref<8x8x224xi32, #tpu.memory_space<vmem>>, vector<1x8x224xi32>,
    %mul3A_344 = arith.mulf %sub3A_327, %sub3A_330 : vector<8x224xf32>
    %convert_element_type3A_345 = arith.extui %and3A_306 : vector<8x224xi1> to vector<8x224xi32>
    %convert_element_type3A_346 = arith.sitofp %convert_element_type3A_345 : vector<8x224xi32> to vector<8x224xf32>
    %mul3A_347 = arith.mulf %mul3A_344, %convert_element_type3A_346 : vector<8x224xf32>
    %swap3A_348 = arith.constant 4 : index
    %swap3A_349 = arith.constant 0 : index
    %swap3A_350 = arith.constant 0 : index
    %swap3A_351 = vector.load %arg3[%swap3A_348, %swap3A_349, %swap3A_350] : memref<8x8x224xf32, #tpu.memory_space<vmem>>, vector<1x8x224xf32>
    %swap3A_352 = vector.shape_cast %swap3A_351 : vector<1x8x224xf32> to vector<8x224xf32>
    %swap3A_353 = vector.shape_cast %mul3A_347 : vector<8x224xf32> to vector<1x8x224xf32>
    tpu.vector_store %arg3[%swap3A_348, %swap3A_349, %swap3A_350], %swap3A_353 {strides = array<i32>} : memref<8x8x224xf32, #tpu.memory_space<vmem>>, vector<1x8x224xf32>,
    %add3A_354 = arith.constant 1.000000e+00 : f32
    %add3A_355 = vector.broadcast %add3A_354 : f32 to vector<8x224xf32>
    %add3A_356 = arith.addf %floor3A_282, %add3A_355 : vector<8x224xf32>
    %add3A_357 = arith.constant 0.000000e+00 : f32
    %add3A_358 = vector.broadcast %add3A_357 : f32 to vector<8x224xf32>
    %add3A_359 = arith.addf %floor3A_283, %add3A_358 : vector<8x224xf32>
    %ge3A_360 = arith.constant 0.000000e+00 : f32
    %ge3A_361 = vector.broadcast %ge3A_360 : f32 to vector<8x224xf32>
    %ge3A_362 = arith.cmpf oge, %add3A_356, %ge3A_361 : vector<8x224xf32>
    %le3A_363 = arith.constant 2.230000e+02 : f32
    %le3A_364 = vector.broadcast %le3A_363 : f32 to vector<8x224xf32>
    %le3A_365 = arith.cmpf ole, %add3A_356, %le3A_364 : vector<8x224xf32>
    %and3A_366 = arith.andi %ge3A_362, %le3A_365 : vector<8x224xi1>
    %ge3A_367 = arith.constant 0.000000e+00 : f32
    %ge3A_368 = vector.broadcast %ge3A_367 : f32 to vector<8x224xf32>
    %ge3A_369 = arith.cmpf oge, %add3A_359, %ge3A_368 : vector<8x224xf32>
    %and3A_370 = arith.andi %and3A_366, %ge3A_369 : vector<8x224xi1>
    %le3A_371 = arith.constant 2.230000e+02 : f32
    %le3A_372 = vector.broadcast %le3A_371 : f32 to vector<8x224xf32>
    %le3A_373 = arith.cmpf ole, %add3A_359, %le3A_372 : vector<8x224xf32>
    %and3A_374 = arith.andi %and3A_370, %le3A_373 : vector<8x224xi1>
    %jit3A_375 = arith.constant 0 : i32
    %jit3A_376 = arith.constant 223 : i32
    %convert_element_type3A_377 = arith.sitofp %jit3A_375 : i32 to f32
    %max3A_378 = vector.broadcast %convert_element_type3A_377 : f32 to vector<8x224xf32>
    %max3A_379 = arith.maximumf %max3A_378, %add3A_356 : vector<8x224xf32>
    %convert_element_type3A_380 = arith.sitofp %jit3A_376 : i32 to f32
    %min3A_381 = vector.broadcast %convert_element_type3A_380 : f32 to vector<8x224xf32>
    %min3A_382 = arith.minimumf %min3A_381, %max3A_379 : vector<8x224xf32>
    %convert_element_type3A_383 = arith.fptosi %min3A_382 : vector<8x224xf32> to vector<8x224xi32>
    %jit3A_384 = arith.constant 0 : i32
    %jit3A_385 = arith.constant 223 : i32
    %convert_element_type3A_386 = arith.sitofp %jit3A_384 : i32 to f32
    %max3A_387 = vector.broadcast %convert_element_type3A_386 : f32 to vector<8x224xf32>
    %max3A_388 = arith.maximumf %max3A_387, %add3A_359 : vector<8x224xf32>
    %convert_element_type3A_389 = arith.sitofp %jit3A_385 : i32 to f32
    %min3A_390 = vector.broadcast %convert_element_type3A_389 : f32 to vector<8x224xf32>
    %min3A_391 = arith.minimumf %min3A_390, %max3A_388 : vector<8x224xf32>
    %convert_element_type3A_392 = arith.fptosi %min3A_391 : vector<8x224xf32> to vector<8x224xi32>
    %sub3A_393 = arith.constant 1.000000e+00 : f32
    %sub3A_394 = vector.broadcast %sub3A_393 : f32 to vector<8x224xf32>
    %sub3A_395 = arith.subf %sub3A_394, %sub3A_285 : vector<8x224xf32>
    %mul3A_396 = arith.constant 224 : i32
    %mul3A_397 = vector.broadcast %mul3A_396 : i32 to vector<8x224xi32>
    %mul3A_398 = arith.muli %convert_element_type3A_392, %mul3A_397 : vector<8x224xi32>
    %add3A_399 = arith.addi %mul3A_398, %convert_element_type3A_383 : vector<8x224xi32>
    %add3A_400 = arith.constant 50176 : i32
    %add3A_401 = vector.broadcast %add3A_400 : i32 to vector<8x224xi32>
    %add3A_402 = arith.addi %add3A_399, %add3A_401 : vector<8x224xi32>
    %swap3A_403 = arith.constant 5 : index
    %swap3A_404 = arith.constant 0 : index
    %swap3A_405 = arith.constant 0 : index
    %swap3A_406 = vector.load %arg2[%swap3A_403, %swap3A_404, %swap3A_405] : memref<8x8x224xi32, #tpu.memory_space<vmem>>, vector<1x8x224xi32>
    %swap3A_407 = vector.shape_cast %swap3A_406 : vector<1x8x224xi32> to vector<8x224xi32>
    %swap3A_408 = vector.shape_cast %add3A_402 : vector<8x224xi32> to vector<1x8x224xi32>
    tpu.vector_store %arg2[%swap3A_403, %swap3A_404, %swap3A_405], %swap3A_408 {strides = array<i32>} : memref<8x8x224xi32, #tpu.memory_space<vmem>>, vector<1x8x224xi32>,
    %mul3A_409 = arith.mulf %sub3A_284, %sub3A_395 : vector<8x224xf32>
    %convert_element_type3A_410 = arith.extui %and3A_374 : vector<8x224xi1> to vector<8x224xi32>
    %convert_element_type3A_411 = arith.sitofp %convert_element_type3A_410 : vector<8x224xi32> to vector<8x224xf32>
    %mul3A_412 = arith.mulf %mul3A_409, %convert_element_type3A_411 : vector<8x224xf32>
    %swap3A_413 = arith.constant 5 : index
    %swap3A_414 = arith.constant 0 : index
    %swap3A_415 = arith.constant 0 : index
    %swap3A_416 = vector.load %arg3[%swap3A_413, %swap3A_414, %swap3A_415] : memref<8x8x224xf32, #tpu.memory_space<vmem>>, vector<1x8x224xf32>
    %swap3A_417 = vector.shape_cast %swap3A_416 : vector<1x8x224xf32> to vector<8x224xf32>
    %swap3A_418 = vector.shape_cast %mul3A_412 : vector<8x224xf32> to vector<1x8x224xf32>
    tpu.vector_store %arg3[%swap3A_413, %swap3A_414, %swap3A_415], %swap3A_418 {strides = array<i32>} : memref<8x8x224xf32, #tpu.memory_space<vmem>>, vector<1x8x224xf32>,
    %add3A_419 = arith.constant 0.000000e+00 : f32
    %add3A_420 = vector.broadcast %add3A_419 : f32 to vector<8x224xf32>
    %add3A_421 = arith.addf %floor3A_282, %add3A_420 : vector<8x224xf32>
    %add3A_422 = arith.constant 1.000000e+00 : f32
    %add3A_423 = vector.broadcast %add3A_422 : f32 to vector<8x224xf32>
    %add3A_424 = arith.addf %floor3A_283, %add3A_423 : vector<8x224xf32>
    %ge3A_425 = arith.constant 0.000000e+00 : f32
    %ge3A_426 = vector.broadcast %ge3A_425 : f32 to vector<8x224xf32>
    %ge3A_427 = arith.cmpf oge, %add3A_421, %ge3A_426 : vector<8x224xf32>
    %le3A_428 = arith.constant 2.230000e+02 : f32
    %le3A_429 = vector.broadcast %le3A_428 : f32 to vector<8x224xf32>
    %le3A_430 = arith.cmpf ole, %add3A_421, %le3A_429 : vector<8x224xf32>
    %and3A_431 = arith.andi %ge3A_427, %le3A_430 : vector<8x224xi1>
    %ge3A_432 = arith.constant 0.000000e+00 : f32
    %ge3A_433 = vector.broadcast %ge3A_432 : f32 to vector<8x224xf32>
    %ge3A_434 = arith.cmpf oge, %add3A_424, %ge3A_433 : vector<8x224xf32>
    %and3A_435 = arith.andi %and3A_431, %ge3A_434 : vector<8x224xi1>
    %le3A_436 = arith.constant 2.230000e+02 : f32
    %le3A_437 = vector.broadcast %le3A_436 : f32 to vector<8x224xf32>
    %le3A_438 = arith.cmpf ole, %add3A_424, %le3A_437 : vector<8x224xf32>
    %and3A_439 = arith.andi %and3A_435, %le3A_438 : vector<8x224xi1>
    %jit3A_440 = arith.constant 0 : i32
    %jit3A_441 = arith.constant 223 : i32
    %convert_element_type3A_442 = arith.sitofp %jit3A_440 : i32 to f32
    %max3A_443 = vector.broadcast %convert_element_type3A_442 : f32 to vector<8x224xf32>
    %max3A_444 = arith.maximumf %max3A_443, %add3A_421 : vector<8x224xf32>
    %convert_element_type3A_445 = arith.sitofp %jit3A_441 : i32 to f32
    %min3A_446 = vector.broadcast %convert_element_type3A_445 : f32 to vector<8x224xf32>
    %min3A_447 = arith.minimumf %min3A_446, %max3A_444 : vector<8x224xf32>
    %convert_element_type3A_448 = arith.fptosi %min3A_447 : vector<8x224xf32> to vector<8x224xi32>
    %jit3A_449 = arith.constant 0 : i32
    %jit3A_450 = arith.constant 223 : i32
    %convert_element_type3A_451 = arith.sitofp %jit3A_449 : i32 to f32
    %max3A_452 = vector.broadcast %convert_element_type3A_451 : f32 to vector<8x224xf32>
    %max3A_453 = arith.maximumf %max3A_452, %add3A_424 : vector<8x224xf32>
    %convert_element_type3A_454 = arith.sitofp %jit3A_450 : i32 to f32
    %min3A_455 = vector.broadcast %convert_element_type3A_454 : f32 to vector<8x224xf32>
    %min3A_456 = arith.minimumf %min3A_455, %max3A_453 : vector<8x224xf32>
    %convert_element_type3A_457 = arith.fptosi %min3A_456 : vector<8x224xf32> to vector<8x224xi32>
    %sub3A_458 = arith.constant 1.000000e+00 : f32
    %sub3A_459 = vector.broadcast %sub3A_458 : f32 to vector<8x224xf32>
    %sub3A_460 = arith.subf %sub3A_459, %sub3A_284 : vector<8x224xf32>
    %mul3A_461 = arith.constant 224 : i32
    %mul3A_462 = vector.broadcast %mul3A_461 : i32 to vector<8x224xi32>
    %mul3A_463 = arith.muli %convert_element_type3A_457, %mul3A_462 : vector<8x224xi32>
    %add3A_464 = arith.addi %mul3A_463, %convert_element_type3A_448 : vector<8x224xi32>
    %add3A_465 = arith.constant 50176 : i32
    %add3A_466 = vector.broadcast %add3A_465 : i32 to vector<8x224xi32>
    %add3A_467 = arith.addi %add3A_464, %add3A_466 : vector<8x224xi32>
    %swap3A_468 = arith.constant 6 : index
    %swap3A_469 = arith.constant 0 : index
    %swap3A_470 = arith.constant 0 : index
    %swap3A_471 = vector.load %arg2[%swap3A_468, %swap3A_469, %swap3A_470] : memref<8x8x224xi32, #tpu.memory_space<vmem>>, vector<1x8x224xi32>
    %swap3A_472 = vector.shape_cast %swap3A_471 : vector<1x8x224xi32> to vector<8x224xi32>
    %swap3A_473 = vector.shape_cast %add3A_467 : vector<8x224xi32> to vector<1x8x224xi32>
    tpu.vector_store %arg2[%swap3A_468, %swap3A_469, %swap3A_470], %swap3A_473 {strides = array<i32>} : memref<8x8x224xi32, #tpu.memory_space<vmem>>, vector<1x8x224xi32>,
    %mul3A_474 = arith.mulf %sub3A_460, %sub3A_285 : vector<8x224xf32>
    %convert_element_type3A_475 = arith.extui %and3A_439 : vector<8x224xi1> to vector<8x224xi32>
    %convert_element_type3A_476 = arith.sitofp %convert_element_type3A_475 : vector<8x224xi32> to vector<8x224xf32>
    %mul3A_477 = arith.mulf %mul3A_474, %convert_element_type3A_476 : vector<8x224xf32>
    %swap3A_478 = arith.constant 6 : index
    %swap3A_479 = arith.constant 0 : index
    %swap3A_480 = arith.constant 0 : index
    %swap3A_481 = vector.load %arg3[%swap3A_478, %swap3A_479, %swap3A_480] : memref<8x8x224xf32, #tpu.memory_space<vmem>>, vector<1x8x224xf32>
    %swap3A_482 = vector.shape_cast %swap3A_481 : vector<1x8x224xf32> to vector<8x224xf32>
    %swap3A_483 = vector.shape_cast %mul3A_477 : vector<8x224xf32> to vector<1x8x224xf32>
    tpu.vector_store %arg3[%swap3A_478, %swap3A_479, %swap3A_480], %swap3A_483 {strides = array<i32>} : memref<8x8x224xf32, #tpu.memory_space<vmem>>, vector<1x8x224xf32>,
    %add3A_484 = arith.constant 1.000000e+00 : f32
    %add3A_485 = vector.broadcast %add3A_484 : f32 to vector<8x224xf32>
    %add3A_486 = arith.addf %floor3A_282, %add3A_485 : vector<8x224xf32>
    %add3A_487 = arith.constant 1.000000e+00 : f32
    %add3A_488 = vector.broadcast %add3A_487 : f32 to vector<8x224xf32>
    %add3A_489 = arith.addf %floor3A_283, %add3A_488 : vector<8x224xf32>
    %ge3A_490 = arith.constant 0.000000e+00 : f32
    %ge3A_491 = vector.broadcast %ge3A_490 : f32 to vector<8x224xf32>
    %ge3A_492 = arith.cmpf oge, %add3A_486, %ge3A_491 : vector<8x224xf32>
    %le3A_493 = arith.constant 2.230000e+02 : f32
    %le3A_494 = vector.broadcast %le3A_493 : f32 to vector<8x224xf32>
    %le3A_495 = arith.cmpf ole, %add3A_486, %le3A_494 : vector<8x224xf32>
    %and3A_496 = arith.andi %ge3A_492, %le3A_495 : vector<8x224xi1>
    %ge3A_497 = arith.constant 0.000000e+00 : f32
    %ge3A_498 = vector.broadcast %ge3A_497 : f32 to vector<8x224xf32>
    %ge3A_499 = arith.cmpf oge, %add3A_489, %ge3A_498 : vector<8x224xf32>
    %and3A_500 = arith.andi %and3A_496, %ge3A_499 : vector<8x224xi1>
    %le3A_501 = arith.constant 2.230000e+02 : f32
    %le3A_502 = vector.broadcast %le3A_501 : f32 to vector<8x224xf32>
    %le3A_503 = arith.cmpf ole, %add3A_489, %le3A_502 : vector<8x224xf32>
    %and3A_504 = arith.andi %and3A_500, %le3A_503 : vector<8x224xi1>
    %jit3A_505 = arith.constant 0 : i32
    %jit3A_506 = arith.constant 223 : i32
    %convert_element_type3A_507 = arith.sitofp %jit3A_505 : i32 to f32
    %max3A_508 = vector.broadcast %convert_element_type3A_507 : f32 to vector<8x224xf32>
    %max3A_509 = arith.maximumf %max3A_508, %add3A_486 : vector<8x224xf32>
    %convert_element_type3A_510 = arith.sitofp %jit3A_506 : i32 to f32
    %min3A_511 = vector.broadcast %convert_element_type3A_510 : f32 to vector<8x224xf32>
    %min3A_512 = arith.minimumf %min3A_511, %max3A_509 : vector<8x224xf32>
    %convert_element_type3A_513 = arith.fptosi %min3A_512 : vector<8x224xf32> to vector<8x224xi32>
    %jit3A_514 = arith.constant 0 : i32
    %jit3A_515 = arith.constant 223 : i32
    %convert_element_type3A_516 = arith.sitofp %jit3A_514 : i32 to f32
    %max3A_517 = vector.broadcast %convert_element_type3A_516 : f32 to vector<8x224xf32>
    %max3A_518 = arith.maximumf %max3A_517, %add3A_489 : vector<8x224xf32>
    %convert_element_type3A_519 = arith.sitofp %jit3A_515 : i32 to f32
    %min3A_520 = vector.broadcast %convert_element_type3A_519 : f32 to vector<8x224xf32>
    %min3A_521 = arith.minimumf %min3A_520, %max3A_518 : vector<8x224xf32>
    %convert_element_type3A_522 = arith.fptosi %min3A_521 : vector<8x224xf32> to vector<8x224xi32>
    %mul3A_523 = arith.constant 224 : i32
    %mul3A_524 = vector.broadcast %mul3A_523 : i32 to vector<8x224xi32>
    %mul3A_525 = arith.muli %convert_element_type3A_522, %mul3A_524 : vector<8x224xi32>
    %add3A_526 = arith.addi %mul3A_525, %convert_element_type3A_513 : vector<8x224xi32>
    %add3A_527 = arith.constant 50176 : i32
    %add3A_528 = vector.broadcast %add3A_527 : i32 to vector<8x224xi32>
    %add3A_529 = arith.addi %add3A_526, %add3A_528 : vector<8x224xi32>
    %swap3A_530 = arith.constant 7 : index
    %swap3A_531 = arith.constant 0 : index
    %swap3A_532 = arith.constant 0 : index
    %swap3A_533 = vector.load %arg2[%swap3A_530, %swap3A_531, %swap3A_532] : memref<8x8x224xi32, #tpu.memory_space<vmem>>, vector<1x8x224xi32>
    %swap3A_534 = vector.shape_cast %swap3A_533 : vector<1x8x224xi32> to vector<8x224xi32>
    %swap3A_535 = vector.shape_cast %add3A_529 : vector<8x224xi32> to vector<1x8x224xi32>
    tpu.vector_store %arg2[%swap3A_530, %swap3A_531, %swap3A_532], %swap3A_535 {strides = array<i32>} : memref<8x8x224xi32, #tpu.memory_space<vmem>>, vector<1x8x224xi32>,
    %mul3A_536 = arith.mulf %sub3A_284, %sub3A_285 : vector<8x224xf32>
    %convert_element_type3A_537 = arith.extui %and3A_504 : vector<8x224xi1> to vector<8x224xi32>
    %convert_element_type3A_538 = arith.sitofp %convert_element_type3A_537 : vector<8x224xi32> to vector<8x224xf32>
    %mul3A_539 = arith.mulf %mul3A_536, %convert_element_type3A_538 : vector<8x224xf32>
    %swap3A_540 = arith.constant 7 : index
    %swap3A_541 = arith.constant 0 : index
    %swap3A_542 = arith.constant 0 : index
    %swap3A_543 = vector.load %arg3[%swap3A_540, %swap3A_541, %swap3A_542] : memref<8x8x224xf32, #tpu.memory_space<vmem>>, vector<1x8x224xf32>
    %swap3A_544 = vector.shape_cast %swap3A_543 : vector<1x8x224xf32> to vector<8x224xf32>
    %swap3A_545 = vector.shape_cast %mul3A_539 : vector<8x224xf32> to vector<1x8x224xf32>
    tpu.vector_store %arg3[%swap3A_540, %swap3A_541, %swap3A_542], %swap3A_545 {strides = array<i32>} : memref<8x8x224xf32, #tpu.memory_space<vmem>>, vector<1x8x224xf32>,
    return
  }
  func.func @transform_0(%arg0: i32) -> (i32, i32, i32) {
    %c0_i32 = arith.constant 0 : i32
    %c0_i32_0 = arith.constant 0 : i32
    %c0_i32_1 = arith.constant 0 : i32
    return %arg0, %c0_i32, %c0_i32_0 : i32, i32, i32
  }
  func.func @transform_1(%arg0: i32) -> (i32, i32, i32) {
    %c0_i32 = arith.constant 0 : i32
    %c0_i32_0 = arith.constant 0 : i32
    %c0_i32_1 = arith.constant 0 : i32
    return %c0_i32, %arg0, %c0_i32_0 : i32, i32, i32
  }
  func.func @transform_2(%arg0: i32) -> (i32, i32, i32) {
    %c0_i32 = arith.constant 0 : i32
    %c0_i32_0 = arith.constant 0 : i32
    %c0_i32_1 = arith.constant 0 : i32
    return %c0_i32, %arg0, %c0_i32_0 : i32, i32, i32
  }
}

module attributes {stable_mosaic.version = 14 : i64} {
  func.func @_combine_body(%arg0: i32, %arg1: memref<8x8x224x128xf32, #tpu.memory_space<vmem>>, %arg2: memref<8x8x224xf32, #tpu.memory_space<vmem>>, %arg3: memref<8x224x32xf32, #tpu.memory_space<vmem>>, %arg4: memref<8x224x4xf32, #tpu.memory_space<vmem>>, %arg5: memref<8x224x100xf32, #tpu.memory_space<vmem>>) attributes {dimension_semantics = [#tpu.dimension_semantics<arbitrary>], iteration_bounds = array<i64: 28>, scalar_prefetch = 0 : i64, scratch_operands = 0 : i64, tpu.core_type = #tpu.core_type<tc>, window_params = [{transform_indices = @transform_0, window_bounds = array<i64: 8, 8, 224, 128>}, {transform_indices = @transform_1, window_bounds = array<i64: 8, 8, 224>}, {transform_indices = @transform_2, window_bounds = array<i64: 8, 224, 32>}, {transform_indices = @transform_3, window_bounds = array<i64: 8, 224, 4>}, {transform_indices = @transform_4, window_bounds = array<i64: 8, 224, 100>}]} {
    %broadcast_in_dim3A = arith.constant 0.000000e+00 : f32
    %broadcast_in_dim3A_0 = vector.broadcast %broadcast_in_dim3A : f32 to vector<8x224x32xf32>
    %get3A = arith.constant 0 : index
    %get3A_1 = arith.constant 0 : index
    %get3A_2 = arith.constant 0 : index
    %get3A_3 = arith.constant 0 : index
    %get3A_4 = vector.load %arg1[%get3A, %get3A_1, %get3A_2, %get3A_3] : memref<8x8x224x128xf32, #tpu.memory_space<vmem>>, vector<1x8x224x128xf32>
    %get3A_5 = vector.shape_cast %get3A_4 : vector<1x8x224x128xf32> to vector<8x224x128xf32>
    %slice3A = vector.extract_strided_slice %get3A_5 {offsets = [0, 0, 0], sizes = [8, 224, 32], strides = [1, 1, 1]} : vector<8x224x128xf32> to vector<8x224x32xf32>
    %get3A_6 = arith.constant 0 : index
    %get3A_7 = arith.constant 0 : index
    %get3A_8 = arith.constant 0 : index
    %get3A_9 = vector.load %arg2[%get3A_6, %get3A_7, %get3A_8] : memref<8x8x224xf32, #tpu.memory_space<vmem>>, vector<1x8x224xf32>
    %get3A_10 = vector.shape_cast %get3A_9 : vector<1x8x224xf32> to vector<8x224xf32>
    %broadcast_in_dim3A_11 = vector.shape_cast %get3A_10 : vector<8x224xf32> to vector<8x224x1xf32>
    %mul3A = vector.broadcast %broadcast_in_dim3A_11 : vector<8x224x1xf32> to vector<8x224x32xf32>
    %mul3A_12 = arith.mulf %slice3A, %mul3A : vector<8x224x32xf32>
    %add3A = arith.addf %broadcast_in_dim3A_0, %mul3A_12 : vector<8x224x32xf32>
    %get3A_13 = arith.constant 1 : index
    %get3A_14 = arith.constant 0 : index
    %get3A_15 = arith.constant 0 : index
    %get3A_16 = arith.constant 0 : index
    %get3A_17 = vector.load %arg1[%get3A_13, %get3A_14, %get3A_15, %get3A_16] : memref<8x8x224x128xf32, #tpu.memory_space<vmem>>, vector<1x8x224x128xf32>
    %get3A_18 = vector.shape_cast %get3A_17 : vector<1x8x224x128xf32> to vector<8x224x128xf32>
    %slice3A_19 = vector.extract_strided_slice %get3A_18 {offsets = [0, 0, 0], sizes = [8, 224, 32], strides = [1, 1, 1]} : vector<8x224x128xf32> to vector<8x224x32xf32>
    %get3A_20 = arith.constant 1 : index
    %get3A_21 = arith.constant 0 : index
    %get3A_22 = arith.constant 0 : index
    %get3A_23 = vector.load %arg2[%get3A_20, %get3A_21, %get3A_22] : memref<8x8x224xf32, #tpu.memory_space<vmem>>, vector<1x8x224xf32>
    %get3A_24 = vector.shape_cast %get3A_23 : vector<1x8x224xf32> to vector<8x224xf32>
    %broadcast_in_dim3A_25 = vector.shape_cast %get3A_24 : vector<8x224xf32> to vector<8x224x1xf32>
    %mul3A_26 = vector.broadcast %broadcast_in_dim3A_25 : vector<8x224x1xf32> to vector<8x224x32xf32>
    %mul3A_27 = arith.mulf %slice3A_19, %mul3A_26 : vector<8x224x32xf32>
    %add3A_28 = arith.addf %add3A, %mul3A_27 : vector<8x224x32xf32>
    %get3A_29 = arith.constant 2 : index
    %get3A_30 = arith.constant 0 : index
    %get3A_31 = arith.constant 0 : index
    %get3A_32 = arith.constant 0 : index
    %get3A_33 = vector.load %arg1[%get3A_29, %get3A_30, %get3A_31, %get3A_32] : memref<8x8x224x128xf32, #tpu.memory_space<vmem>>, vector<1x8x224x128xf32>
    %get3A_34 = vector.shape_cast %get3A_33 : vector<1x8x224x128xf32> to vector<8x224x128xf32>
    %slice3A_35 = vector.extract_strided_slice %get3A_34 {offsets = [0, 0, 0], sizes = [8, 224, 32], strides = [1, 1, 1]} : vector<8x224x128xf32> to vector<8x224x32xf32>
    %get3A_36 = arith.constant 2 : index
    %get3A_37 = arith.constant 0 : index
    %get3A_38 = arith.constant 0 : index
    %get3A_39 = vector.load %arg2[%get3A_36, %get3A_37, %get3A_38] : memref<8x8x224xf32, #tpu.memory_space<vmem>>, vector<1x8x224xf32>
    %get3A_40 = vector.shape_cast %get3A_39 : vector<1x8x224xf32> to vector<8x224xf32>
    %broadcast_in_dim3A_41 = vector.shape_cast %get3A_40 : vector<8x224xf32> to vector<8x224x1xf32>
    %mul3A_42 = vector.broadcast %broadcast_in_dim3A_41 : vector<8x224x1xf32> to vector<8x224x32xf32>
    %mul3A_43 = arith.mulf %slice3A_35, %mul3A_42 : vector<8x224x32xf32>
    %add3A_44 = arith.addf %add3A_28, %mul3A_43 : vector<8x224x32xf32>
    %get3A_45 = arith.constant 3 : index
    %get3A_46 = arith.constant 0 : index
    %get3A_47 = arith.constant 0 : index
    %get3A_48 = arith.constant 0 : index
    %get3A_49 = vector.load %arg1[%get3A_45, %get3A_46, %get3A_47, %get3A_48] : memref<8x8x224x128xf32, #tpu.memory_space<vmem>>, vector<1x8x224x128xf32>
    %get3A_50 = vector.shape_cast %get3A_49 : vector<1x8x224x128xf32> to vector<8x224x128xf32>
    %slice3A_51 = vector.extract_strided_slice %get3A_50 {offsets = [0, 0, 0], sizes = [8, 224, 32], strides = [1, 1, 1]} : vector<8x224x128xf32> to vector<8x224x32xf32>
    %get3A_52 = arith.constant 3 : index
    %get3A_53 = arith.constant 0 : index
    %get3A_54 = arith.constant 0 : index
    %get3A_55 = vector.load %arg2[%get3A_52, %get3A_53, %get3A_54] : memref<8x8x224xf32, #tpu.memory_space<vmem>>, vector<1x8x224xf32>
    %get3A_56 = vector.shape_cast %get3A_55 : vector<1x8x224xf32> to vector<8x224xf32>
    %broadcast_in_dim3A_57 = vector.shape_cast %get3A_56 : vector<8x224xf32> to vector<8x224x1xf32>
    %mul3A_58 = vector.broadcast %broadcast_in_dim3A_57 : vector<8x224x1xf32> to vector<8x224x32xf32>
    %mul3A_59 = arith.mulf %slice3A_51, %mul3A_58 : vector<8x224x32xf32>
    %add3A_60 = arith.addf %add3A_44, %mul3A_59 : vector<8x224x32xf32>
    %broadcast_in_dim3A_61 = arith.constant 0.000000e+00 : f32
    %broadcast_in_dim3A_62 = vector.broadcast %broadcast_in_dim3A_61 : f32 to vector<8x224x32xf32>
    %get3A_63 = arith.constant 4 : index
    %get3A_64 = arith.constant 0 : index
    %get3A_65 = arith.constant 0 : index
    %get3A_66 = arith.constant 0 : index
    %get3A_67 = vector.load %arg1[%get3A_63, %get3A_64, %get3A_65, %get3A_66] : memref<8x8x224x128xf32, #tpu.memory_space<vmem>>, vector<1x8x224x128xf32>
    %get3A_68 = vector.shape_cast %get3A_67 : vector<1x8x224x128xf32> to vector<8x224x128xf32>
    %slice3A_69 = vector.extract_strided_slice %get3A_68 {offsets = [0, 0, 0], sizes = [8, 224, 32], strides = [1, 1, 1]} : vector<8x224x128xf32> to vector<8x224x32xf32>
    %get3A_70 = arith.constant 4 : index
    %get3A_71 = arith.constant 0 : index
    %get3A_72 = arith.constant 0 : index
    %get3A_73 = vector.load %arg2[%get3A_70, %get3A_71, %get3A_72] : memref<8x8x224xf32, #tpu.memory_space<vmem>>, vector<1x8x224xf32>
    %get3A_74 = vector.shape_cast %get3A_73 : vector<1x8x224xf32> to vector<8x224xf32>
    %broadcast_in_dim3A_75 = vector.shape_cast %get3A_74 : vector<8x224xf32> to vector<8x224x1xf32>
    %mul3A_76 = vector.broadcast %broadcast_in_dim3A_75 : vector<8x224x1xf32> to vector<8x224x32xf32>
    %mul3A_77 = arith.mulf %slice3A_69, %mul3A_76 : vector<8x224x32xf32>
    %add3A_78 = arith.addf %broadcast_in_dim3A_62, %mul3A_77 : vector<8x224x32xf32>
    %get3A_79 = arith.constant 5 : index
    %get3A_80 = arith.constant 0 : index
    %get3A_81 = arith.constant 0 : index
    %get3A_82 = arith.constant 0 : index
    %get3A_83 = vector.load %arg1[%get3A_79, %get3A_80, %get3A_81, %get3A_82] : memref<8x8x224x128xf32, #tpu.memory_space<vmem>>, vector<1x8x224x128xf32>
    %get3A_84 = vector.shape_cast %get3A_83 : vector<1x8x224x128xf32> to vector<8x224x128xf32>
    %slice3A_85 = vector.extract_strided_slice %get3A_84 {offsets = [0, 0, 0], sizes = [8, 224, 32], strides = [1, 1, 1]} : vector<8x224x128xf32> to vector<8x224x32xf32>
    %get3A_86 = arith.constant 5 : index
    %get3A_87 = arith.constant 0 : index
    %get3A_88 = arith.constant 0 : index
    %get3A_89 = vector.load %arg2[%get3A_86, %get3A_87, %get3A_88] : memref<8x8x224xf32, #tpu.memory_space<vmem>>, vector<1x8x224xf32>
    %get3A_90 = vector.shape_cast %get3A_89 : vector<1x8x224xf32> to vector<8x224xf32>
    %broadcast_in_dim3A_91 = vector.shape_cast %get3A_90 : vector<8x224xf32> to vector<8x224x1xf32>
    %mul3A_92 = vector.broadcast %broadcast_in_dim3A_91 : vector<8x224x1xf32> to vector<8x224x32xf32>
    %mul3A_93 = arith.mulf %slice3A_85, %mul3A_92 : vector<8x224x32xf32>
    %add3A_94 = arith.addf %add3A_78, %mul3A_93 : vector<8x224x32xf32>
    %get3A_95 = arith.constant 6 : index
    %get3A_96 = arith.constant 0 : index
    %get3A_97 = arith.constant 0 : index
    %get3A_98 = arith.constant 0 : index
    %get3A_99 = vector.load %arg1[%get3A_95, %get3A_96, %get3A_97, %get3A_98] : memref<8x8x224x128xf32, #tpu.memory_space<vmem>>, vector<1x8x224x128xf32>
    %get3A_100 = vector.shape_cast %get3A_99 : vector<1x8x224x128xf32> to vector<8x224x128xf32>
    %slice3A_101 = vector.extract_strided_slice %get3A_100 {offsets = [0, 0, 0], sizes = [8, 224, 32], strides = [1, 1, 1]} : vector<8x224x128xf32> to vector<8x224x32xf32>
    %get3A_102 = arith.constant 6 : index
    %get3A_103 = arith.constant 0 : index
    %get3A_104 = arith.constant 0 : index
    %get3A_105 = vector.load %arg2[%get3A_102, %get3A_103, %get3A_104] : memref<8x8x224xf32, #tpu.memory_space<vmem>>, vector<1x8x224xf32>
    %get3A_106 = vector.shape_cast %get3A_105 : vector<1x8x224xf32> to vector<8x224xf32>
    %broadcast_in_dim3A_107 = vector.shape_cast %get3A_106 : vector<8x224xf32> to vector<8x224x1xf32>
    %mul3A_108 = vector.broadcast %broadcast_in_dim3A_107 : vector<8x224x1xf32> to vector<8x224x32xf32>
    %mul3A_109 = arith.mulf %slice3A_101, %mul3A_108 : vector<8x224x32xf32>
    %add3A_110 = arith.addf %add3A_94, %mul3A_109 : vector<8x224x32xf32>
    %get3A_111 = arith.constant 7 : index
    %get3A_112 = arith.constant 0 : index
    %get3A_113 = arith.constant 0 : index
    %get3A_114 = arith.constant 0 : index
    %get3A_115 = vector.load %arg1[%get3A_111, %get3A_112, %get3A_113, %get3A_114] : memref<8x8x224x128xf32, #tpu.memory_space<vmem>>, vector<1x8x224x128xf32>
    %get3A_116 = vector.shape_cast %get3A_115 : vector<1x8x224x128xf32> to vector<8x224x128xf32>
    %slice3A_117 = vector.extract_strided_slice %get3A_116 {offsets = [0, 0, 0], sizes = [8, 224, 32], strides = [1, 1, 1]} : vector<8x224x128xf32> to vector<8x224x32xf32>
    %get3A_118 = arith.constant 7 : index
    %get3A_119 = arith.constant 0 : index
    %get3A_120 = arith.constant 0 : index
    %get3A_121 = vector.load %arg2[%get3A_118, %get3A_119, %get3A_120] : memref<8x8x224xf32, #tpu.memory_space<vmem>>, vector<1x8x224xf32>
    %get3A_122 = vector.shape_cast %get3A_121 : vector<1x8x224xf32> to vector<8x224xf32>
    %broadcast_in_dim3A_123 = vector.shape_cast %get3A_122 : vector<8x224xf32> to vector<8x224x1xf32>
    %mul3A_124 = vector.broadcast %broadcast_in_dim3A_123 : vector<8x224x1xf32> to vector<8x224x32xf32>
    %mul3A_125 = arith.mulf %slice3A_117, %mul3A_124 : vector<8x224x32xf32>
    %add3A_126 = arith.addf %add3A_110, %mul3A_125 : vector<8x224x32xf32>
    %get3A_127 = arith.constant 0 : index
    %get3A_128 = arith.constant 0 : index
    %get3A_129 = arith.constant 0 : index
    %get3A_130 = vector.load %arg3[%get3A_127, %get3A_128, %get3A_129] : memref<8x224x32xf32, #tpu.memory_space<vmem>>, vector<8x224x32xf32>
    %get3A_131 = arith.constant 0 : index
    %get3A_132 = arith.constant 0 : index
    %get3A_133 = arith.constant 0 : index
    %get3A_134 = vector.load %arg4[%get3A_131, %get3A_132, %get3A_133] : memref<8x224x4xf32, #tpu.memory_space<vmem>>, vector<8x224x4xf32>
    %concatenate3A = tpu.concatenate %add3A_60, %add3A_126, %get3A_130, %get3A_134 in 2 : vector<8x224x32xf32>, vector<8x224x32xf32>, vector<8x224x32xf32>, vector<8x224x4xf32> -> vector<8x224x100xf32>
    %swap3A = arith.constant 0 : index
    %swap3A_135 = arith.constant 0 : index
    %swap3A_136 = arith.constant 0 : index
    %swap3A_137 = vector.load %arg5[%swap3A, %swap3A_135, %swap3A_136] : memref<8x224x100xf32, #tpu.memory_space<vmem>>, vector<8x224x100xf32>
    tpu.vector_store %arg5[%swap3A, %swap3A_135, %swap3A_136], %concatenate3A {strides = array<i32>} : memref<8x224x100xf32, #tpu.memory_space<vmem>>, vector<8x224x100xf32>,
    return
  }
  func.func @transform_0(%arg0: i32) -> (i32, i32, i32, i32) {
    %c0_i32 = arith.constant 0 : i32
    %c0_i32_0 = arith.constant 0 : i32
    %c0_i32_1 = arith.constant 0 : i32
    %c0_i32_2 = arith.constant 0 : i32
    return %c0_i32, %arg0, %c0_i32_0, %c0_i32_1 : i32, i32, i32, i32
  }
  func.func @transform_1(%arg0: i32) -> (i32, i32, i32) {
    %c0_i32 = arith.constant 0 : i32
    %c0_i32_0 = arith.constant 0 : i32
    %c0_i32_1 = arith.constant 0 : i32
    return %c0_i32, %arg0, %c0_i32_0 : i32, i32, i32
  }
  func.func @transform_2(%arg0: i32) -> (i32, i32, i32) {
    %c0_i32 = arith.constant 0 : i32
    %c0_i32_0 = arith.constant 0 : i32
    %c0_i32_1 = arith.constant 0 : i32
    return %arg0, %c0_i32, %c0_i32_0 : i32, i32, i32
  }
  func.func @transform_3(%arg0: i32) -> (i32, i32, i32) {
    %c0_i32 = arith.constant 0 : i32
    %c0_i32_0 = arith.constant 0 : i32
    %c0_i32_1 = arith.constant 0 : i32
    return %arg0, %c0_i32, %c0_i32_0 : i32, i32, i32
  }
  func.func @transform_4(%arg0: i32) -> (i32, i32, i32) {
    %c0_i32 = arith.constant 0 : i32
    %c0_i32_0 = arith.constant 0 : i32
    %c0_i32_1 = arith.constant 0 : i32
    return %arg0, %c0_i32, %c0_i32_0 : i32, i32, i32
  }
}

module attributes {stable_mosaic.version = 14 : i64} {
  func.func @_conv_head_body(%arg0: i32, %arg1: memref<8x224x100xf32, #tpu.memory_space<vmem>>, %arg2: memref<8x224x100xf32, #tpu.memory_space<vmem>>, %arg3: memref<8x224x100xf32, #tpu.memory_space<vmem>>, %arg4: memref<1152x100xf32, #tpu.memory_space<vmem>>, %arg5: memref<1x1x100xf32, #tpu.memory_space<vmem>>, %arg6: memref<8x224x1xf32, #tpu.memory_space<vmem>>, %arg7: memref<1x100x36xf32, #tpu.memory_space<vmem>>, %arg8: memref<1x1x36xf32, #tpu.memory_space<vmem>>, %arg9: memref<8x224x100xf32, #tpu.memory_space<vmem>>, %arg10: memref<8x224x36xf32, #tpu.memory_space<vmem>>) attributes {dimension_semantics = [#tpu.dimension_semantics<arbitrary>], iteration_bounds = array<i64: 28>, scalar_prefetch = 0 : i64, scratch_operands = 0 : i64, tpu.core_type = #tpu.core_type<tc>, window_params = [{transform_indices = @transform_0, window_bounds = array<i64: 8, 224, 100>}, {transform_indices = @transform_1, window_bounds = array<i64: 8, 224, 100>}, {transform_indices = @transform_2, window_bounds = array<i64: 8, 224, 100>}, {pipeline_mode = #tpu.pipeline_mode<synchronous>, transform_indices = @transform_3, window_bounds = array<i64: 1152, 100>}, {pipeline_mode = #tpu.pipeline_mode<synchronous>, transform_indices = @transform_4, window_bounds = array<i64: 1, 1, 100>}, {transform_indices = @transform_5, window_bounds = array<i64: 8, 224, 1>}, {pipeline_mode = #tpu.pipeline_mode<synchronous>, transform_indices = @transform_6, window_bounds = array<i64: 1, 100, 36>}, {pipeline_mode = #tpu.pipeline_mode<synchronous>, transform_indices = @transform_7, window_bounds = array<i64: 1, 1, 36>}, {transform_indices = @transform_8, window_bounds = array<i64: 8, 224, 100>}, {transform_indices = @transform_9, window_bounds = array<i64: 8, 224, 36>}]} {
    %gt3A = arith.constant 0 : i32
    %gt3A_0 = arith.cmpi sgt, %arg0, %gt3A : i32
    %jit3A = arith.constant 1.000000e+00 : f32
    %jit3A_1 = arith.constant 0.000000e+00 : f32
    %select_n3A = arith.select %gt3A_0, %jit3A, %jit3A_1 : f32
    %lt3A = arith.constant 27 : i32
    %lt3A_2 = arith.cmpi slt, %arg0, %lt3A : i32
    %jit3A_3 = arith.constant 1.000000e+00 : f32
    %jit3A_4 = arith.constant 0.000000e+00 : f32
    %select_n3A_5 = arith.select %lt3A_2, %jit3A_3, %jit3A_4 : f32
    %get3A = arith.constant 7 : index
    %get3A_6 = arith.constant 0 : index
    %get3A_7 = arith.constant 0 : index
    %get3A_8 = vector.load %arg1[%get3A, %get3A_6, %get3A_7] : memref<8x224x100xf32, #tpu.memory_space<vmem>>, vector<1x224x100xf32>
    %mul3A = vector.broadcast %select_n3A : f32 to vector<1x224x100xf32>
    %mul3A_9 = arith.mulf %get3A_8, %mul3A : vector<1x224x100xf32>
    %get3A_10 = arith.constant 0 : index
    %get3A_11 = arith.constant 0 : index
    %get3A_12 = arith.constant 0 : index
    %get3A_13 = vector.load %arg3[%get3A_10, %get3A_11, %get3A_12] : memref<8x224x100xf32, #tpu.memory_space<vmem>>, vector<1x224x100xf32>
    %mul3A_14 = vector.broadcast %select_n3A_5 : f32 to vector<1x224x100xf32>
    %mul3A_15 = arith.mulf %get3A_13, %mul3A_14 : vector<1x224x100xf32>
    %get3A_16 = arith.constant 0 : index
    %get3A_17 = arith.constant 0 : index
    %get3A_18 = arith.constant 0 : index
    %get3A_19 = vector.load %arg2[%get3A_16, %get3A_17, %get3A_18] : memref<8x224x100xf32, #tpu.memory_space<vmem>>, vector<8x224x100xf32>
    %concatenate3A = tpu.concatenate %mul3A_9, %get3A_19, %mul3A_15 in 0 : vector<1x224x100xf32>, vector<8x224x100xf32>, vector<1x224x100xf32> -> vector<10x224x100xf32>
    %broadcast_in_dim3A = arith.constant 0.000000e+00 : f32
    %broadcast_in_dim3A_20 = vector.broadcast %broadcast_in_dim3A : f32 to vector<10x1x100xf32>
    %concatenate3A_21 = tpu.concatenate %broadcast_in_dim3A_20, %concatenate3A, %broadcast_in_dim3A_20 in 1 : vector<10x1x100xf32>, vector<10x224x100xf32>, vector<10x1x100xf32> -> vector<10x226x100xf32>
    %broadcast_in_dim3A_22 = arith.constant 0.000000e+00 : f32
    %broadcast_in_dim3A_23 = vector.broadcast %broadcast_in_dim3A_22 : f32 to vector<10x226x28xf32>
    %concatenate3A_24 = tpu.concatenate %concatenate3A_21, %broadcast_in_dim3A_23 in 2 : vector<10x226x100xf32>, vector<10x226x28xf32> -> vector<10x226x128xf32>
    %slice3A = vector.extract_strided_slice %concatenate3A_24 {offsets = [0, 0, 0], sizes = [8, 224, 128], strides = [1, 1, 1]} : vector<10x226x128xf32> to vector<8x224x128xf32>
    %reshape3A = vector.shape_cast %slice3A : vector<8x224x128xf32> to vector<1792x128xf32>
    %slice3A_25 = vector.extract_strided_slice %concatenate3A_24 {offsets = [0, 1, 0], sizes = [8, 224, 128], strides = [1, 1, 1]} : vector<10x226x128xf32> to vector<8x224x128xf32>
    %reshape3A_26 = vector.shape_cast %slice3A_25 : vector<8x224x128xf32> to vector<1792x128xf32>
    %slice3A_27 = vector.extract_strided_slice %concatenate3A_24 {offsets = [0, 2, 0], sizes = [8, 224, 128], strides = [1, 1, 1]} : vector<10x226x128xf32> to vector<8x224x128xf32>
    %reshape3A_28 = vector.shape_cast %slice3A_27 : vector<8x224x128xf32> to vector<1792x128xf32>
    %slice3A_29 = vector.extract_strided_slice %concatenate3A_24 {offsets = [1, 0, 0], sizes = [8, 224, 128], strides = [1, 1, 1]} : vector<10x226x128xf32> to vector<8x224x128xf32>
    %reshape3A_30 = vector.shape_cast %slice3A_29 : vector<8x224x128xf32> to vector<1792x128xf32>
    %slice3A_31 = vector.extract_strided_slice %concatenate3A_24 {offsets = [1, 1, 0], sizes = [8, 224, 128], strides = [1, 1, 1]} : vector<10x226x128xf32> to vector<8x224x128xf32>
    %reshape3A_32 = vector.shape_cast %slice3A_31 : vector<8x224x128xf32> to vector<1792x128xf32>
    %slice3A_33 = vector.extract_strided_slice %concatenate3A_24 {offsets = [1, 2, 0], sizes = [8, 224, 128], strides = [1, 1, 1]} : vector<10x226x128xf32> to vector<8x224x128xf32>
    %reshape3A_34 = vector.shape_cast %slice3A_33 : vector<8x224x128xf32> to vector<1792x128xf32>
    %slice3A_35 = vector.extract_strided_slice %concatenate3A_24 {offsets = [2, 0, 0], sizes = [8, 224, 128], strides = [1, 1, 1]} : vector<10x226x128xf32> to vector<8x224x128xf32>
    %reshape3A_36 = vector.shape_cast %slice3A_35 : vector<8x224x128xf32> to vector<1792x128xf32>
    %slice3A_37 = vector.extract_strided_slice %concatenate3A_24 {offsets = [2, 1, 0], sizes = [8, 224, 128], strides = [1, 1, 1]} : vector<10x226x128xf32> to vector<8x224x128xf32>
    %reshape3A_38 = vector.shape_cast %slice3A_37 : vector<8x224x128xf32> to vector<1792x128xf32>
    %slice3A_39 = vector.extract_strided_slice %concatenate3A_24 {offsets = [2, 2, 0], sizes = [8, 224, 128], strides = [1, 1, 1]} : vector<10x226x128xf32> to vector<8x224x128xf32>
    %reshape3A_40 = vector.shape_cast %slice3A_39 : vector<8x224x128xf32> to vector<1792x128xf32>
    %concatenate3A_41 = tpu.concatenate %reshape3A, %reshape3A_26, %reshape3A_28, %reshape3A_30, %reshape3A_32, %reshape3A_34, %reshape3A_36, %reshape3A_38, %reshape3A_40 in 1 : vector<1792x128xf32>, vector<1792x128xf32>, vector<1792x128xf32>, vector<1792x128xf32>, vector<1792x128xf32>, vector<1792x128xf32>, vector<1792x128xf32>, vector<1792x128xf32>, vector<1792x128xf32> -> vector<1792x1152xf32>
    %get3A_42 = arith.constant 0 : index
    %get3A_43 = arith.constant 0 : index
    %get3A_44 = vector.load %arg4[%get3A_42, %get3A_43] : memref<1152x100xf32, #tpu.memory_space<vmem>>, vector<1152x100xf32>
    %dot_general3A = arith.constant dense<0.000000e+00> : vector<1792x100xf32>
    %dot_general3A_45 = tpu.matmul %concatenate3A_41, %get3A_44, %dot_general3A {dimension_numbers = #tpu.dot_dimension_numbers<[1], [0], [0], [1], [0, 0, 1, 1], [], []>, transpose_lhs_hint = false} : vector<1792x1152xf32>, vector<1152x100xf32>, vector<1792x100xf32> -> vector<1792x100xf32>
    %reshape3A_46 = vector.shape_cast %dot_general3A_45 : vector<1792x100xf32> to vector<8x224x100xf32>
    %max3A = arith.constant 0.000000e+00 : f32
    %max3A_47 = vector.broadcast %max3A : f32 to vector<8x224x100xf32>
    %max3A_48 = arith.maximumf %reshape3A_46, %max3A_47 : vector<8x224x100xf32>
    %get3A_49 = arith.constant 0 : index
    %get3A_50 = arith.constant 0 : index
    %get3A_51 = arith.constant 0 : index
    %get3A_52 = vector.load %arg5[%get3A_49, %get3A_50, %get3A_51] : memref<1x1x100xf32, #tpu.memory_space<vmem>>, vector<1x1x100xf32>
    %get3A_53 = vector.shape_cast %get3A_52 : vector<1x1x100xf32> to vector<100xf32>
    %min3A = arith.constant 0.000000e+00 : f32
    %min3A_54 = vector.broadcast %min3A : f32 to vector<8x224x100xf32>
    %min3A_55 = arith.minimumf %reshape3A_46, %min3A_54 : vector<8x224x100xf32>
    %broadcast_in_dim3A_56 = vector.shape_cast %get3A_53 : vector<100xf32> to vector<1x1x100xf32>
    %mul3A_57 = vector.broadcast %broadcast_in_dim3A_56 : vector<1x1x100xf32> to vector<8x224x100xf32>
    %mul3A_58 = arith.mulf %mul3A_57, %min3A_55 : vector<8x224x100xf32>
    %add3A = arith.addf %max3A_48, %mul3A_58 : vector<8x224x100xf32>
    %get3A_59 = arith.constant 0 : index
    %get3A_60 = arith.constant 0 : index
    %get3A_61 = arith.constant 0 : index
    %get3A_62 = vector.load %arg6[%get3A_59, %get3A_60, %get3A_61] : memref<8x224x1xf32, #tpu.memory_space<vmem>>, vector<8x224x1xf32>
    %mul3A_63 = vector.broadcast %get3A_62 : vector<8x224x1xf32> to vector<8x224x100xf32>
    %mul3A_64 = arith.mulf %add3A, %mul3A_63 : vector<8x224x100xf32>
    %swap3A = arith.constant 0 : index
    %swap3A_65 = arith.constant 0 : index
    %swap3A_66 = arith.constant 0 : index
    %swap3A_67 = vector.load %arg9[%swap3A, %swap3A_65, %swap3A_66] : memref<8x224x100xf32, #tpu.memory_space<vmem>>, vector<8x224x100xf32>
    tpu.vector_store %arg9[%swap3A, %swap3A_65, %swap3A_66], %mul3A_64 {strides = array<i32>} : memref<8x224x100xf32, #tpu.memory_space<vmem>>, vector<8x224x100xf32>,
    %reshape3A_68 = vector.shape_cast %mul3A_64 : vector<8x224x100xf32> to vector<1792x100xf32>
    %get3A_69 = arith.constant 0 : index
    %get3A_70 = arith.constant 0 : index
    %get3A_71 = arith.constant 0 : index
    %get3A_72 = vector.load %arg7[%get3A_69, %get3A_70, %get3A_71] : memref<1x100x36xf32, #tpu.memory_space<vmem>>, vector<1x100x36xf32>
    %get3A_73 = vector.shape_cast %get3A_72 : vector<1x100x36xf32> to vector<100x36xf32>
    %dot_general3A_74 = arith.constant dense<0.000000e+00> : vector<1792x36xf32>
    %dot_general3A_75 = tpu.matmul %reshape3A_68, %get3A_73, %dot_general3A_74 {dimension_numbers = #tpu.dot_dimension_numbers<[1], [0], [0], [1], [0, 0, 1, 1], [], []>, transpose_lhs_hint = false} : vector<1792x100xf32>, vector<100x36xf32>, vector<1792x36xf32> -> vector<1792x36xf32>
    %reshape3A_76 = vector.shape_cast %dot_general3A_75 : vector<1792x36xf32> to vector<8x224x36xf32>
    %get3A_77 = arith.constant 0 : index
    %get3A_78 = arith.constant 0 : index
    %get3A_79 = arith.constant 0 : index
    %get3A_80 = vector.load %arg8[%get3A_77, %get3A_78, %get3A_79] : memref<1x1x36xf32, #tpu.memory_space<vmem>>, vector<1x1x36xf32>
    %get3A_81 = vector.shape_cast %get3A_80 : vector<1x1x36xf32> to vector<36xf32>
    %broadcast_in_dim3A_82 = vector.shape_cast %get3A_81 : vector<36xf32> to vector<1x1x36xf32>
    %add3A_83 = vector.broadcast %broadcast_in_dim3A_82 : vector<1x1x36xf32> to vector<8x224x36xf32>
    %add3A_84 = arith.addf %reshape3A_76, %add3A_83 : vector<8x224x36xf32>
    %swap3A_85 = arith.constant 0 : index
    %swap3A_86 = arith.constant 0 : index
    %swap3A_87 = arith.constant 0 : index
    %swap3A_88 = vector.load %arg10[%swap3A_85, %swap3A_86, %swap3A_87] : memref<8x224x36xf32, #tpu.memory_space<vmem>>, vector<8x224x36xf32>
    tpu.vector_store %arg10[%swap3A_85, %swap3A_86, %swap3A_87], %add3A_84 {strides = array<i32>} : memref<8x224x36xf32, #tpu.memory_space<vmem>>, vector<8x224x36xf32>,
    return
  }
  func.func @transform_0(%arg0: i32) -> (i32, i32, i32) {
    %sub3A = arith.constant 1 : i32
    %sub3A_0 = arith.subi %arg0, %sub3A : i32
    %max3A = arith.constant 0 : i32
    %max3A_1 = arith.maxsi %sub3A_0, %max3A : i32
    %c0_i32 = arith.constant 0 : i32
    %c0_i32_2 = arith.constant 0 : i32
    %c0_i32_3 = arith.constant 0 : i32
    return %max3A_1, %c0_i32, %c0_i32_2 : i32, i32, i32
  }
  func.func @transform_1(%arg0: i32) -> (i32, i32, i32) {
    %c0_i32 = arith.constant 0 : i32
    %c0_i32_0 = arith.constant 0 : i32
    %c0_i32_1 = arith.constant 0 : i32
    return %arg0, %c0_i32, %c0_i32_0 : i32, i32, i32
  }
  func.func @transform_2(%arg0: i32) -> (i32, i32, i32) {
    %add3A = arith.constant 1 : i32
    %add3A_0 = arith.addi %arg0, %add3A : i32
    %min3A = arith.constant 27 : i32
    %min3A_1 = arith.minsi %add3A_0, %min3A : i32
    %c0_i32 = arith.constant 0 : i32
    %c0_i32_2 = arith.constant 0 : i32
    %c0_i32_3 = arith.constant 0 : i32
    return %min3A_1, %c0_i32, %c0_i32_2 : i32, i32, i32
  }
  func.func @transform_3(%arg0: i32) -> (i32, i32) {
    %c0_i32 = arith.constant 0 : i32
    %c0_i32_0 = arith.constant 0 : i32
    %c0_i32_1 = arith.constant 0 : i32
    return %c0_i32, %c0_i32_0 : i32, i32
  }
  func.func @transform_4(%arg0: i32) -> (i32, i32, i32) {
    %c0_i32 = arith.constant 0 : i32
    %c0_i32_0 = arith.constant 0 : i32
    %c0_i32_1 = arith.constant 0 : i32
    %c0_i32_2 = arith.constant 0 : i32
    return %c0_i32, %c0_i32_0, %c0_i32_1 : i32, i32, i32
  }
  func.func @transform_5(%arg0: i32) -> (i32, i32, i32) {
    %c0_i32 = arith.constant 0 : i32
    %c0_i32_0 = arith.constant 0 : i32
    %c0_i32_1 = arith.constant 0 : i32
    return %arg0, %c0_i32, %c0_i32_0 : i32, i32, i32
  }
  func.func @transform_6(%arg0: i32) -> (i32, i32, i32) {
    %c0_i32 = arith.constant 0 : i32
    %c0_i32_0 = arith.constant 0 : i32
    %c0_i32_1 = arith.constant 0 : i32
    %c0_i32_2 = arith.constant 0 : i32
    return %c0_i32, %c0_i32_0, %c0_i32_1 : i32, i32, i32
  }
  func.func @transform_7(%arg0: i32) -> (i32, i32, i32) {
    %c0_i32 = arith.constant 0 : i32
    %c0_i32_0 = arith.constant 0 : i32
    %c0_i32_1 = arith.constant 0 : i32
    %c0_i32_2 = arith.constant 0 : i32
    return %c0_i32, %c0_i32_0, %c0_i32_1 : i32, i32, i32
  }
  func.func @transform_8(%arg0: i32) -> (i32, i32, i32) {
    %c0_i32 = arith.constant 0 : i32
    %c0_i32_0 = arith.constant 0 : i32
    %c0_i32_1 = arith.constant 0 : i32
    return %arg0, %c0_i32, %c0_i32_0 : i32, i32, i32
  }
  func.func @transform_9(%arg0: i32) -> (i32, i32, i32) {
    %c0_i32 = arith.constant 0 : i32
    %c0_i32_0 = arith.constant 0 : i32
    %c0_i32_1 = arith.constant 0 : i32
    return %arg0, %c0_i32, %c0_i32_0 : i32, i32, i32
  }
}

module attributes {stable_mosaic.version = 14 : i64} {
  func.func @_conv_layer_body(%arg0: i32, %arg1: memref<8x224x100xf32, #tpu.memory_space<vmem>>, %arg2: memref<8x224x100xf32, #tpu.memory_space<vmem>>, %arg3: memref<8x224x100xf32, #tpu.memory_space<vmem>>, %arg4: memref<1152x100xf32, #tpu.memory_space<vmem>>, %arg5: memref<1x1x100xf32, #tpu.memory_space<vmem>>, %arg6: memref<8x224x1xf32, #tpu.memory_space<vmem>>, %arg7: memref<1x100x36xf32, #tpu.memory_space<vmem>>, %arg8: memref<8x224x36xf32, #tpu.memory_space<vmem>>, %arg9: memref<8x224x100xf32, #tpu.memory_space<vmem>>, %arg10: memref<8x224x36xf32, #tpu.memory_space<vmem>>) attributes {dimension_semantics = [#tpu.dimension_semantics<arbitrary>], iteration_bounds = array<i64: 28>, scalar_prefetch = 0 : i64, scratch_operands = 0 : i64, tpu.core_type = #tpu.core_type<tc>, window_params = [{transform_indices = @transform_0, window_bounds = array<i64: 8, 224, 100>}, {transform_indices = @transform_1, window_bounds = array<i64: 8, 224, 100>}, {transform_indices = @transform_2, window_bounds = array<i64: 8, 224, 100>}, {pipeline_mode = #tpu.pipeline_mode<synchronous>, transform_indices = @transform_3, window_bounds = array<i64: 1152, 100>}, {pipeline_mode = #tpu.pipeline_mode<synchronous>, transform_indices = @transform_4, window_bounds = array<i64: 1, 1, 100>}, {transform_indices = @transform_5, window_bounds = array<i64: 8, 224, 1>}, {pipeline_mode = #tpu.pipeline_mode<synchronous>, transform_indices = @transform_6, window_bounds = array<i64: 1, 100, 36>}, {transform_indices = @transform_7, window_bounds = array<i64: 8, 224, 36>}, {transform_indices = @transform_8, window_bounds = array<i64: 8, 224, 100>}, {transform_indices = @transform_9, window_bounds = array<i64: 8, 224, 36>}]} {
    %gt3A = arith.constant 0 : i32
    %gt3A_0 = arith.cmpi sgt, %arg0, %gt3A : i32
    %jit3A = arith.constant 1.000000e+00 : f32
    %jit3A_1 = arith.constant 0.000000e+00 : f32
    %select_n3A = arith.select %gt3A_0, %jit3A, %jit3A_1 : f32
    %lt3A = arith.constant 27 : i32
    %lt3A_2 = arith.cmpi slt, %arg0, %lt3A : i32
    %jit3A_3 = arith.constant 1.000000e+00 : f32
    %jit3A_4 = arith.constant 0.000000e+00 : f32
    %select_n3A_5 = arith.select %lt3A_2, %jit3A_3, %jit3A_4 : f32
    %get3A = arith.constant 7 : index
    %get3A_6 = arith.constant 0 : index
    %get3A_7 = arith.constant 0 : index
    %get3A_8 = vector.load %arg1[%get3A, %get3A_6, %get3A_7] : memref<8x224x100xf32, #tpu.memory_space<vmem>>, vector<1x224x100xf32>
    %mul3A = vector.broadcast %select_n3A : f32 to vector<1x224x100xf32>
    %mul3A_9 = arith.mulf %get3A_8, %mul3A : vector<1x224x100xf32>
    %get3A_10 = arith.constant 0 : index
    %get3A_11 = arith.constant 0 : index
    %get3A_12 = arith.constant 0 : index
    %get3A_13 = vector.load %arg3[%get3A_10, %get3A_11, %get3A_12] : memref<8x224x100xf32, #tpu.memory_space<vmem>>, vector<1x224x100xf32>
    %mul3A_14 = vector.broadcast %select_n3A_5 : f32 to vector<1x224x100xf32>
    %mul3A_15 = arith.mulf %get3A_13, %mul3A_14 : vector<1x224x100xf32>
    %get3A_16 = arith.constant 0 : index
    %get3A_17 = arith.constant 0 : index
    %get3A_18 = arith.constant 0 : index
    %get3A_19 = vector.load %arg2[%get3A_16, %get3A_17, %get3A_18] : memref<8x224x100xf32, #tpu.memory_space<vmem>>, vector<8x224x100xf32>
    %concatenate3A = tpu.concatenate %mul3A_9, %get3A_19, %mul3A_15 in 0 : vector<1x224x100xf32>, vector<8x224x100xf32>, vector<1x224x100xf32> -> vector<10x224x100xf32>
    %broadcast_in_dim3A = arith.constant 0.000000e+00 : f32
    %broadcast_in_dim3A_20 = vector.broadcast %broadcast_in_dim3A : f32 to vector<10x1x100xf32>
    %concatenate3A_21 = tpu.concatenate %broadcast_in_dim3A_20, %concatenate3A, %broadcast_in_dim3A_20 in 1 : vector<10x1x100xf32>, vector<10x224x100xf32>, vector<10x1x100xf32> -> vector<10x226x100xf32>
    %broadcast_in_dim3A_22 = arith.constant 0.000000e+00 : f32
    %broadcast_in_dim3A_23 = vector.broadcast %broadcast_in_dim3A_22 : f32 to vector<10x226x28xf32>
    %concatenate3A_24 = tpu.concatenate %concatenate3A_21, %broadcast_in_dim3A_23 in 2 : vector<10x226x100xf32>, vector<10x226x28xf32> -> vector<10x226x128xf32>
    %slice3A = vector.extract_strided_slice %concatenate3A_24 {offsets = [0, 0, 0], sizes = [8, 224, 128], strides = [1, 1, 1]} : vector<10x226x128xf32> to vector<8x224x128xf32>
    %reshape3A = vector.shape_cast %slice3A : vector<8x224x128xf32> to vector<1792x128xf32>
    %slice3A_25 = vector.extract_strided_slice %concatenate3A_24 {offsets = [0, 1, 0], sizes = [8, 224, 128], strides = [1, 1, 1]} : vector<10x226x128xf32> to vector<8x224x128xf32>
    %reshape3A_26 = vector.shape_cast %slice3A_25 : vector<8x224x128xf32> to vector<1792x128xf32>
    %slice3A_27 = vector.extract_strided_slice %concatenate3A_24 {offsets = [0, 2, 0], sizes = [8, 224, 128], strides = [1, 1, 1]} : vector<10x226x128xf32> to vector<8x224x128xf32>
    %reshape3A_28 = vector.shape_cast %slice3A_27 : vector<8x224x128xf32> to vector<1792x128xf32>
    %slice3A_29 = vector.extract_strided_slice %concatenate3A_24 {offsets = [1, 0, 0], sizes = [8, 224, 128], strides = [1, 1, 1]} : vector<10x226x128xf32> to vector<8x224x128xf32>
    %reshape3A_30 = vector.shape_cast %slice3A_29 : vector<8x224x128xf32> to vector<1792x128xf32>
    %slice3A_31 = vector.extract_strided_slice %concatenate3A_24 {offsets = [1, 1, 0], sizes = [8, 224, 128], strides = [1, 1, 1]} : vector<10x226x128xf32> to vector<8x224x128xf32>
    %reshape3A_32 = vector.shape_cast %slice3A_31 : vector<8x224x128xf32> to vector<1792x128xf32>
    %slice3A_33 = vector.extract_strided_slice %concatenate3A_24 {offsets = [1, 2, 0], sizes = [8, 224, 128], strides = [1, 1, 1]} : vector<10x226x128xf32> to vector<8x224x128xf32>
    %reshape3A_34 = vector.shape_cast %slice3A_33 : vector<8x224x128xf32> to vector<1792x128xf32>
    %slice3A_35 = vector.extract_strided_slice %concatenate3A_24 {offsets = [2, 0, 0], sizes = [8, 224, 128], strides = [1, 1, 1]} : vector<10x226x128xf32> to vector<8x224x128xf32>
    %reshape3A_36 = vector.shape_cast %slice3A_35 : vector<8x224x128xf32> to vector<1792x128xf32>
    %slice3A_37 = vector.extract_strided_slice %concatenate3A_24 {offsets = [2, 1, 0], sizes = [8, 224, 128], strides = [1, 1, 1]} : vector<10x226x128xf32> to vector<8x224x128xf32>
    %reshape3A_38 = vector.shape_cast %slice3A_37 : vector<8x224x128xf32> to vector<1792x128xf32>
    %slice3A_39 = vector.extract_strided_slice %concatenate3A_24 {offsets = [2, 2, 0], sizes = [8, 224, 128], strides = [1, 1, 1]} : vector<10x226x128xf32> to vector<8x224x128xf32>
    %reshape3A_40 = vector.shape_cast %slice3A_39 : vector<8x224x128xf32> to vector<1792x128xf32>
    %concatenate3A_41 = tpu.concatenate %reshape3A, %reshape3A_26, %reshape3A_28, %reshape3A_30, %reshape3A_32, %reshape3A_34, %reshape3A_36, %reshape3A_38, %reshape3A_40 in 1 : vector<1792x128xf32>, vector<1792x128xf32>, vector<1792x128xf32>, vector<1792x128xf32>, vector<1792x128xf32>, vector<1792x128xf32>, vector<1792x128xf32>, vector<1792x128xf32>, vector<1792x128xf32> -> vector<1792x1152xf32>
    %get3A_42 = arith.constant 0 : index
    %get3A_43 = arith.constant 0 : index
    %get3A_44 = vector.load %arg4[%get3A_42, %get3A_43] : memref<1152x100xf32, #tpu.memory_space<vmem>>, vector<1152x100xf32>
    %dot_general3A = arith.constant dense<0.000000e+00> : vector<1792x100xf32>
    %dot_general3A_45 = tpu.matmul %concatenate3A_41, %get3A_44, %dot_general3A {dimension_numbers = #tpu.dot_dimension_numbers<[1], [0], [0], [1], [0, 0, 1, 1], [], []>, transpose_lhs_hint = false} : vector<1792x1152xf32>, vector<1152x100xf32>, vector<1792x100xf32> -> vector<1792x100xf32>
    %reshape3A_46 = vector.shape_cast %dot_general3A_45 : vector<1792x100xf32> to vector<8x224x100xf32>
    %get3A_47 = arith.constant 0 : index
    %get3A_48 = arith.constant 0 : index
    %get3A_49 = arith.constant 0 : index
    %get3A_50 = vector.load %arg6[%get3A_47, %get3A_48, %get3A_49] : memref<8x224x1xf32, #tpu.memory_space<vmem>>, vector<8x224x1xf32>
    %mul3A_51 = vector.broadcast %get3A_50 : vector<8x224x1xf32> to vector<8x224x100xf32>
    %mul3A_52 = arith.mulf %reshape3A_46, %mul3A_51 : vector<8x224x100xf32>
    %max3A = arith.constant 0.000000e+00 : f32
    %max3A_53 = vector.broadcast %max3A : f32 to vector<8x224x100xf32>
    %max3A_54 = arith.maximumf %mul3A_52, %max3A_53 : vector<8x224x100xf32>
    %get3A_55 = arith.constant 0 : index
    %get3A_56 = arith.constant 0 : index
    %get3A_57 = arith.constant 0 : index
    %get3A_58 = vector.load %arg5[%get3A_55, %get3A_56, %get3A_57] : memref<1x1x100xf32, #tpu.memory_space<vmem>>, vector<1x1x100xf32>
    %get3A_59 = vector.shape_cast %get3A_58 : vector<1x1x100xf32> to vector<100xf32>
    %min3A = arith.constant 0.000000e+00 : f32
    %min3A_60 = vector.broadcast %min3A : f32 to vector<8x224x100xf32>
    %min3A_61 = arith.minimumf %mul3A_52, %min3A_60 : vector<8x224x100xf32>
    %broadcast_in_dim3A_62 = vector.shape_cast %get3A_59 : vector<100xf32> to vector<1x1x100xf32>
    %mul3A_63 = vector.broadcast %broadcast_in_dim3A_62 : vector<1x1x100xf32> to vector<8x224x100xf32>
    %mul3A_64 = arith.mulf %mul3A_63, %min3A_61 : vector<8x224x100xf32>
    %add3A = arith.addf %max3A_54, %mul3A_64 : vector<8x224x100xf32>
    %swap3A = arith.constant 0 : index
    %swap3A_65 = arith.constant 0 : index
    %swap3A_66 = arith.constant 0 : index
    %swap3A_67 = vector.load %arg9[%swap3A, %swap3A_65, %swap3A_66] : memref<8x224x100xf32, #tpu.memory_space<vmem>>, vector<8x224x100xf32>
    tpu.vector_store %arg9[%swap3A, %swap3A_65, %swap3A_66], %add3A {strides = array<i32>} : memref<8x224x100xf32, #tpu.memory_space<vmem>>, vector<8x224x100xf32>,
    %reshape3A_68 = vector.shape_cast %add3A : vector<8x224x100xf32> to vector<1792x100xf32>
    %get3A_69 = arith.constant 0 : index
    %get3A_70 = arith.constant 0 : index
    %get3A_71 = arith.constant 0 : index
    %get3A_72 = vector.load %arg7[%get3A_69, %get3A_70, %get3A_71] : memref<1x100x36xf32, #tpu.memory_space<vmem>>, vector<1x100x36xf32>
    %get3A_73 = vector.shape_cast %get3A_72 : vector<1x100x36xf32> to vector<100x36xf32>
    %dot_general3A_74 = arith.constant dense<0.000000e+00> : vector<1792x36xf32>
    %dot_general3A_75 = tpu.matmul %reshape3A_68, %get3A_73, %dot_general3A_74 {dimension_numbers = #tpu.dot_dimension_numbers<[1], [0], [0], [1], [0, 0, 1, 1], [], []>, transpose_lhs_hint = false} : vector<1792x100xf32>, vector<100x36xf32>, vector<1792x36xf32> -> vector<1792x36xf32>
    %get3A_76 = arith.constant 0 : index
    %get3A_77 = arith.constant 0 : index
    %get3A_78 = arith.constant 0 : index
    %get3A_79 = vector.load %arg8[%get3A_76, %get3A_77, %get3A_78] : memref<8x224x36xf32, #tpu.memory_space<vmem>>, vector<8x224x36xf32>
    %reshape3A_80 = vector.shape_cast %dot_general3A_75 : vector<1792x36xf32> to vector<8x224x36xf32>
    %add3A_81 = arith.addf %get3A_79, %reshape3A_80 : vector<8x224x36xf32>
    %swap3A_82 = arith.constant 0 : index
    %swap3A_83 = arith.constant 0 : index
    %swap3A_84 = arith.constant 0 : index
    %swap3A_85 = vector.load %arg10[%swap3A_82, %swap3A_83, %swap3A_84] : memref<8x224x36xf32, #tpu.memory_space<vmem>>, vector<8x224x36xf32>
    tpu.vector_store %arg10[%swap3A_82, %swap3A_83, %swap3A_84], %add3A_81 {strides = array<i32>} : memref<8x224x36xf32, #tpu.memory_space<vmem>>, vector<8x224x36xf32>,
    return
  }
  func.func @transform_0(%arg0: i32) -> (i32, i32, i32) {
    %sub3A = arith.constant 1 : i32
    %sub3A_0 = arith.subi %arg0, %sub3A : i32
    %max3A = arith.constant 0 : i32
    %max3A_1 = arith.maxsi %sub3A_0, %max3A : i32
    %c0_i32 = arith.constant 0 : i32
    %c0_i32_2 = arith.constant 0 : i32
    %c0_i32_3 = arith.constant 0 : i32
    return %max3A_1, %c0_i32, %c0_i32_2 : i32, i32, i32
  }
  func.func @transform_1(%arg0: i32) -> (i32, i32, i32) {
    %c0_i32 = arith.constant 0 : i32
    %c0_i32_0 = arith.constant 0 : i32
    %c0_i32_1 = arith.constant 0 : i32
    return %arg0, %c0_i32, %c0_i32_0 : i32, i32, i32
  }
  func.func @transform_2(%arg0: i32) -> (i32, i32, i32) {
    %add3A = arith.constant 1 : i32
    %add3A_0 = arith.addi %arg0, %add3A : i32
    %min3A = arith.constant 27 : i32
    %min3A_1 = arith.minsi %add3A_0, %min3A : i32
    %c0_i32 = arith.constant 0 : i32
    %c0_i32_2 = arith.constant 0 : i32
    %c0_i32_3 = arith.constant 0 : i32
    return %min3A_1, %c0_i32, %c0_i32_2 : i32, i32, i32
  }
  func.func @transform_3(%arg0: i32) -> (i32, i32) {
    %c0_i32 = arith.constant 0 : i32
    %c0_i32_0 = arith.constant 0 : i32
    %c0_i32_1 = arith.constant 0 : i32
    return %c0_i32, %c0_i32_0 : i32, i32
  }
  func.func @transform_4(%arg0: i32) -> (i32, i32, i32) {
    %c0_i32 = arith.constant 0 : i32
    %c0_i32_0 = arith.constant 0 : i32
    %c0_i32_1 = arith.constant 0 : i32
    %c0_i32_2 = arith.constant 0 : i32
    return %c0_i32, %c0_i32_0, %c0_i32_1 : i32, i32, i32
  }
  func.func @transform_5(%arg0: i32) -> (i32, i32, i32) {
    %c0_i32 = arith.constant 0 : i32
    %c0_i32_0 = arith.constant 0 : i32
    %c0_i32_1 = arith.constant 0 : i32
    return %arg0, %c0_i32, %c0_i32_0 : i32, i32, i32
  }
  func.func @transform_6(%arg0: i32) -> (i32, i32, i32) {
    %c0_i32 = arith.constant 0 : i32
    %c0_i32_0 = arith.constant 0 : i32
    %c0_i32_1 = arith.constant 0 : i32
    %c0_i32_2 = arith.constant 0 : i32
    return %c0_i32, %c0_i32_0, %c0_i32_1 : i32, i32, i32
  }
  func.func @transform_7(%arg0: i32) -> (i32, i32, i32) {
    %c0_i32 = arith.constant 0 : i32
    %c0_i32_0 = arith.constant 0 : i32
    %c0_i32_1 = arith.constant 0 : i32
    return %arg0, %c0_i32, %c0_i32_0 : i32, i32, i32
  }
  func.func @transform_8(%arg0: i32) -> (i32, i32, i32) {
    %c0_i32 = arith.constant 0 : i32
    %c0_i32_0 = arith.constant 0 : i32
    %c0_i32_1 = arith.constant 0 : i32
    return %arg0, %c0_i32, %c0_i32_0 : i32, i32, i32
  }
  func.func @transform_9(%arg0: i32) -> (i32, i32, i32) {
    %c0_i32 = arith.constant 0 : i32
    %c0_i32_0 = arith.constant 0 : i32
    %c0_i32_1 = arith.constant 0 : i32
    return %arg0, %c0_i32, %c0_i32_0 : i32, i32, i32
  }
}

module attributes {stable_mosaic.version = 14 : i64} {
  func.func @_conv_smn_body(%arg0: i32, %arg1: memref<8x224x32xf32, #tpu.memory_space<vmem>>, %arg2: memref<8x224x32xf32, #tpu.memory_space<vmem>>, %arg3: memref<8x224x32xf32, #tpu.memory_space<vmem>>, %arg4: memref<1152x2xf32, #tpu.memory_space<vmem>>, %arg5: memref<1x1x2xf32, #tpu.memory_space<vmem>>, %arg6: memref<8x224x2xf32, #tpu.memory_space<vmem>>) attributes {dimension_semantics = [#tpu.dimension_semantics<arbitrary>], iteration_bounds = array<i64: 28>, scalar_prefetch = 0 : i64, scratch_operands = 0 : i64, tpu.core_type = #tpu.core_type<tc>, window_params = [{transform_indices = @transform_0, window_bounds = array<i64: 8, 224, 32>}, {transform_indices = @transform_1, window_bounds = array<i64: 8, 224, 32>}, {transform_indices = @transform_2, window_bounds = array<i64: 8, 224, 32>}, {pipeline_mode = #tpu.pipeline_mode<synchronous>, transform_indices = @transform_3, window_bounds = array<i64: 1152, 2>}, {pipeline_mode = #tpu.pipeline_mode<synchronous>, transform_indices = @transform_4, window_bounds = array<i64: 1, 1, 2>}, {transform_indices = @transform_5, window_bounds = array<i64: 8, 224, 2>}]} {
    %gt3A = arith.constant 0 : i32
    %gt3A_0 = arith.cmpi sgt, %arg0, %gt3A : i32
    %jit3A = arith.constant 1.000000e+00 : f32
    %jit3A_1 = arith.constant 0.000000e+00 : f32
    %select_n3A = arith.select %gt3A_0, %jit3A, %jit3A_1 : f32
    %lt3A = arith.constant 27 : i32
    %lt3A_2 = arith.cmpi slt, %arg0, %lt3A : i32
    %jit3A_3 = arith.constant 1.000000e+00 : f32
    %jit3A_4 = arith.constant 0.000000e+00 : f32
    %select_n3A_5 = arith.select %lt3A_2, %jit3A_3, %jit3A_4 : f32
    %get3A = arith.constant 7 : index
    %get3A_6 = arith.constant 0 : index
    %get3A_7 = arith.constant 0 : index
    %get3A_8 = vector.load %arg1[%get3A, %get3A_6, %get3A_7] : memref<8x224x32xf32, #tpu.memory_space<vmem>>, vector<1x224x32xf32>
    %mul3A = vector.broadcast %select_n3A : f32 to vector<1x224x32xf32>
    %mul3A_9 = arith.mulf %get3A_8, %mul3A : vector<1x224x32xf32>
    %get3A_10 = arith.constant 0 : index
    %get3A_11 = arith.constant 0 : index
    %get3A_12 = arith.constant 0 : index
    %get3A_13 = vector.load %arg3[%get3A_10, %get3A_11, %get3A_12] : memref<8x224x32xf32, #tpu.memory_space<vmem>>, vector<1x224x32xf32>
    %mul3A_14 = vector.broadcast %select_n3A_5 : f32 to vector<1x224x32xf32>
    %mul3A_15 = arith.mulf %get3A_13, %mul3A_14 : vector<1x224x32xf32>
    %get3A_16 = arith.constant 0 : index
    %get3A_17 = arith.constant 0 : index
    %get3A_18 = arith.constant 0 : index
    %get3A_19 = vector.load %arg2[%get3A_16, %get3A_17, %get3A_18] : memref<8x224x32xf32, #tpu.memory_space<vmem>>, vector<8x224x32xf32>
    %concatenate3A = tpu.concatenate %mul3A_9, %get3A_19, %mul3A_15 in 0 : vector<1x224x32xf32>, vector<8x224x32xf32>, vector<1x224x32xf32> -> vector<10x224x32xf32>
    %broadcast_in_dim3A = arith.constant 0.000000e+00 : f32
    %broadcast_in_dim3A_20 = vector.broadcast %broadcast_in_dim3A : f32 to vector<10x1x32xf32>
    %concatenate3A_21 = tpu.concatenate %broadcast_in_dim3A_20, %concatenate3A, %broadcast_in_dim3A_20 in 1 : vector<10x1x32xf32>, vector<10x224x32xf32>, vector<10x1x32xf32> -> vector<10x226x32xf32>
    %broadcast_in_dim3A_22 = arith.constant 0.000000e+00 : f32
    %broadcast_in_dim3A_23 = vector.broadcast %broadcast_in_dim3A_22 : f32 to vector<10x226x96xf32>
    %concatenate3A_24 = tpu.concatenate %concatenate3A_21, %broadcast_in_dim3A_23 in 2 : vector<10x226x32xf32>, vector<10x226x96xf32> -> vector<10x226x128xf32>
    %slice3A = vector.extract_strided_slice %concatenate3A_24 {offsets = [0, 0, 0], sizes = [8, 224, 128], strides = [1, 1, 1]} : vector<10x226x128xf32> to vector<8x224x128xf32>
    %reshape3A = vector.shape_cast %slice3A : vector<8x224x128xf32> to vector<1792x128xf32>
    %slice3A_25 = vector.extract_strided_slice %concatenate3A_24 {offsets = [0, 1, 0], sizes = [8, 224, 128], strides = [1, 1, 1]} : vector<10x226x128xf32> to vector<8x224x128xf32>
    %reshape3A_26 = vector.shape_cast %slice3A_25 : vector<8x224x128xf32> to vector<1792x128xf32>
    %slice3A_27 = vector.extract_strided_slice %concatenate3A_24 {offsets = [0, 2, 0], sizes = [8, 224, 128], strides = [1, 1, 1]} : vector<10x226x128xf32> to vector<8x224x128xf32>
    %reshape3A_28 = vector.shape_cast %slice3A_27 : vector<8x224x128xf32> to vector<1792x128xf32>
    %slice3A_29 = vector.extract_strided_slice %concatenate3A_24 {offsets = [1, 0, 0], sizes = [8, 224, 128], strides = [1, 1, 1]} : vector<10x226x128xf32> to vector<8x224x128xf32>
    %reshape3A_30 = vector.shape_cast %slice3A_29 : vector<8x224x128xf32> to vector<1792x128xf32>
    %slice3A_31 = vector.extract_strided_slice %concatenate3A_24 {offsets = [1, 1, 0], sizes = [8, 224, 128], strides = [1, 1, 1]} : vector<10x226x128xf32> to vector<8x224x128xf32>
    %reshape3A_32 = vector.shape_cast %slice3A_31 : vector<8x224x128xf32> to vector<1792x128xf32>
    %slice3A_33 = vector.extract_strided_slice %concatenate3A_24 {offsets = [1, 2, 0], sizes = [8, 224, 128], strides = [1, 1, 1]} : vector<10x226x128xf32> to vector<8x224x128xf32>
    %reshape3A_34 = vector.shape_cast %slice3A_33 : vector<8x224x128xf32> to vector<1792x128xf32>
    %slice3A_35 = vector.extract_strided_slice %concatenate3A_24 {offsets = [2, 0, 0], sizes = [8, 224, 128], strides = [1, 1, 1]} : vector<10x226x128xf32> to vector<8x224x128xf32>
    %reshape3A_36 = vector.shape_cast %slice3A_35 : vector<8x224x128xf32> to vector<1792x128xf32>
    %slice3A_37 = vector.extract_strided_slice %concatenate3A_24 {offsets = [2, 1, 0], sizes = [8, 224, 128], strides = [1, 1, 1]} : vector<10x226x128xf32> to vector<8x224x128xf32>
    %reshape3A_38 = vector.shape_cast %slice3A_37 : vector<8x224x128xf32> to vector<1792x128xf32>
    %slice3A_39 = vector.extract_strided_slice %concatenate3A_24 {offsets = [2, 2, 0], sizes = [8, 224, 128], strides = [1, 1, 1]} : vector<10x226x128xf32> to vector<8x224x128xf32>
    %reshape3A_40 = vector.shape_cast %slice3A_39 : vector<8x224x128xf32> to vector<1792x128xf32>
    %concatenate3A_41 = tpu.concatenate %reshape3A, %reshape3A_26, %reshape3A_28, %reshape3A_30, %reshape3A_32, %reshape3A_34, %reshape3A_36, %reshape3A_38, %reshape3A_40 in 1 : vector<1792x128xf32>, vector<1792x128xf32>, vector<1792x128xf32>, vector<1792x128xf32>, vector<1792x128xf32>, vector<1792x128xf32>, vector<1792x128xf32>, vector<1792x128xf32>, vector<1792x128xf32> -> vector<1792x1152xf32>
    %get3A_42 = arith.constant 0 : index
    %get3A_43 = arith.constant 0 : index
    %get3A_44 = vector.load %arg4[%get3A_42, %get3A_43] : memref<1152x2xf32, #tpu.memory_space<vmem>>, vector<1152x2xf32>
    %dot_general3A = arith.constant dense<0.000000e+00> : vector<1792x2xf32>
    %dot_general3A_45 = tpu.matmul %concatenate3A_41, %get3A_44, %dot_general3A {dimension_numbers = #tpu.dot_dimension_numbers<[1], [0], [0], [1], [0, 0, 1, 1], [], []>, transpose_lhs_hint = false} : vector<1792x1152xf32>, vector<1152x2xf32>, vector<1792x2xf32> -> vector<1792x2xf32>
    %reshape3A_46 = vector.shape_cast %dot_general3A_45 : vector<1792x2xf32> to vector<8x224x2xf32>
    %get3A_47 = arith.constant 0 : index
    %get3A_48 = arith.constant 0 : index
    %get3A_49 = arith.constant 0 : index
    %get3A_50 = vector.load %arg5[%get3A_47, %get3A_48, %get3A_49] : memref<1x1x2xf32, #tpu.memory_space<vmem>>, vector<1x1x2xf32>
    %get3A_51 = vector.shape_cast %get3A_50 : vector<1x1x2xf32> to vector<2xf32>
    %broadcast_in_dim3A_52 = vector.shape_cast %get3A_51 : vector<2xf32> to vector<1x1x2xf32>
    %add3A = vector.broadcast %broadcast_in_dim3A_52 : vector<1x1x2xf32> to vector<8x224x2xf32>
    %add3A_53 = arith.addf %reshape3A_46, %add3A : vector<8x224x2xf32>
    %swap3A = arith.constant 0 : index
    %swap3A_54 = arith.constant 0 : index
    %swap3A_55 = arith.constant 0 : index
    %swap3A_56 = vector.load %arg6[%swap3A, %swap3A_54, %swap3A_55] : memref<8x224x2xf32, #tpu.memory_space<vmem>>, vector<8x224x2xf32>
    tpu.vector_store %arg6[%swap3A, %swap3A_54, %swap3A_55], %add3A_53 {strides = array<i32>} : memref<8x224x2xf32, #tpu.memory_space<vmem>>, vector<8x224x2xf32>,
    return
  }
  func.func @transform_0(%arg0: i32) -> (i32, i32, i32) {
    %sub3A = arith.constant 1 : i32
    %sub3A_0 = arith.subi %arg0, %sub3A : i32
    %max3A = arith.constant 0 : i32
    %max3A_1 = arith.maxsi %sub3A_0, %max3A : i32
    %c0_i32 = arith.constant 0 : i32
    %c0_i32_2 = arith.constant 0 : i32
    %c0_i32_3 = arith.constant 0 : i32
    return %max3A_1, %c0_i32, %c0_i32_2 : i32, i32, i32
  }
  func.func @transform_1(%arg0: i32) -> (i32, i32, i32) {
    %c0_i32 = arith.constant 0 : i32
    %c0_i32_0 = arith.constant 0 : i32
    %c0_i32_1 = arith.constant 0 : i32
    return %arg0, %c0_i32, %c0_i32_0 : i32, i32, i32
  }
  func.func @transform_2(%arg0: i32) -> (i32, i32, i32) {
    %add3A = arith.constant 1 : i32
    %add3A_0 = arith.addi %arg0, %add3A : i32
    %min3A = arith.constant 27 : i32
    %min3A_1 = arith.minsi %add3A_0, %min3A : i32
    %c0_i32 = arith.constant 0 : i32
    %c0_i32_2 = arith.constant 0 : i32
    %c0_i32_3 = arith.constant 0 : i32
    return %min3A_1, %c0_i32, %c0_i32_2 : i32, i32, i32
  }
  func.func @transform_3(%arg0: i32) -> (i32, i32) {
    %c0_i32 = arith.constant 0 : i32
    %c0_i32_0 = arith.constant 0 : i32
    %c0_i32_1 = arith.constant 0 : i32
    return %c0_i32, %c0_i32_0 : i32, i32
  }
  func.func @transform_4(%arg0: i32) -> (i32, i32, i32) {
    %c0_i32 = arith.constant 0 : i32
    %c0_i32_0 = arith.constant 0 : i32
    %c0_i32_1 = arith.constant 0 : i32
    %c0_i32_2 = arith.constant 0 : i32
    return %c0_i32, %c0_i32_0, %c0_i32_1 : i32, i32, i32
  }
  func.func @transform_5(%arg0: i32) -> (i32, i32, i32) {
    %c0_i32 = arith.constant 0 : i32
    %c0_i32_0 = arith.constant 0 : i32
    %c0_i32_1 = arith.constant 0 : i32
    return %arg0, %c0_i32, %c0_i32_0 : i32, i32, i32
  }
}

module attributes {stable_mosaic.version = 14 : i64} {
  func.func @_post_body(%arg0: i32, %arg1: memref<8x224x36xf32, #tpu.memory_space<vmem>>, %arg2: memref<8x224x36xf32, #tpu.memory_space<vmem>>, %arg3: memref<8x224x36xf32, #tpu.memory_space<vmem>>, %arg4: memref<8x224x2xf32, #tpu.memory_space<vmem>>, %arg5: memref<8x224x2xf32, #tpu.memory_space<vmem>>, %arg6: memref<8x224x2xf32, #tpu.memory_space<vmem>>, %arg7: memref<8x224x1xf32, #tpu.memory_space<vmem>>, %arg8: memref<8x224x36xf32, #tpu.memory_space<vmem>>, %arg9: memref<8x224x36xf32, #tpu.memory_space<vmem>>, %arg10: memref<8x224x36xf32, #tpu.memory_space<vmem>>, %arg11: memref<8x224x36xf32, #tpu.memory_space<vmem>>, %arg12: memref<8x224x1xf32, #tpu.memory_space<vmem>>, %arg13: memref<8x224x1xf32, #tpu.memory_space<vmem>>, %arg14: memref<8x224x1xf32, #tpu.memory_space<vmem>>, %arg15: memref<8x224x1xf32, #tpu.memory_space<vmem>>) attributes {dimension_semantics = [#tpu.dimension_semantics<arbitrary>], iteration_bounds = array<i64: 28>, scalar_prefetch = 0 : i64, scratch_operands = 0 : i64, tpu.core_type = #tpu.core_type<tc>, window_params = [{transform_indices = @transform_0, window_bounds = array<i64: 8, 224, 36>}, {transform_indices = @transform_1, window_bounds = array<i64: 8, 224, 36>}, {transform_indices = @transform_2, window_bounds = array<i64: 8, 224, 36>}, {transform_indices = @transform_3, window_bounds = array<i64: 8, 224, 2>}, {transform_indices = @transform_4, window_bounds = array<i64: 8, 224, 2>}, {transform_indices = @transform_5, window_bounds = array<i64: 8, 224, 2>}, {transform_indices = @transform_6, window_bounds = array<i64: 8, 224, 1>}, {transform_indices = @transform_7, window_bounds = array<i64: 8, 224, 36>}, {transform_indices = @transform_8, window_bounds = array<i64: 8, 224, 36>}, {transform_indices = @transform_9, window_bounds = array<i64: 8, 224, 36>}, {transform_indices = @transform_10, window_bounds = array<i64: 8, 224, 36>}, {transform_indices = @transform_11, window_bounds = array<i64: 8, 224, 1>}, {transform_indices = @transform_12, window_bounds = array<i64: 8, 224, 1>}, {transform_indices = @transform_13, window_bounds = array<i64: 8, 224, 1>}, {transform_indices = @transform_14, window_bounds = array<i64: 8, 224, 1>}]} {
    %gt3A = arith.constant 0 : i32
    %gt3A_0 = arith.cmpi sgt, %arg0, %gt3A : i32
    %jit3A = arith.constant 1.000000e+00 : f32
    %jit3A_1 = arith.constant 0.000000e+00 : f32
    %select_n3A = arith.select %gt3A_0, %jit3A, %jit3A_1 : f32
    %lt3A = arith.constant 27 : i32
    %lt3A_2 = arith.cmpi slt, %arg0, %lt3A : i32
    %jit3A_3 = arith.constant 1.000000e+00 : f32
    %jit3A_4 = arith.constant 0.000000e+00 : f32
    %select_n3A_5 = arith.select %lt3A_2, %jit3A_3, %jit3A_4 : f32
    %get3A = arith.constant 7 : index
    %get3A_6 = arith.constant 0 : index
    %get3A_7 = arith.constant 0 : index
    %get3A_8 = vector.load %arg1[%get3A, %get3A_6, %get3A_7] : memref<8x224x36xf32, #tpu.memory_space<vmem>>, vector<1x224x36xf32>
    %mul3A = vector.broadcast %select_n3A : f32 to vector<1x224x36xf32>
    %mul3A_9 = arith.mulf %get3A_8, %mul3A : vector<1x224x36xf32>
    %get3A_10 = arith.constant 0 : index
    %get3A_11 = arith.constant 0 : index
    %get3A_12 = arith.constant 0 : index
    %get3A_13 = vector.load %arg2[%get3A_10, %get3A_11, %get3A_12] : memref<8x224x36xf32, #tpu.memory_space<vmem>>, vector<1x224x36xf32>
    %sub3A = arith.constant 1.000000e+00 : f32
    %sub3A_14 = arith.subf %sub3A, %select_n3A : f32
    %mul3A_15 = vector.broadcast %sub3A_14 : f32 to vector<1x224x36xf32>
    %mul3A_16 = arith.mulf %get3A_13, %mul3A_15 : vector<1x224x36xf32>
    %add3A = arith.addf %mul3A_9, %mul3A_16 : vector<1x224x36xf32>
    %get3A_17 = arith.constant 0 : index
    %get3A_18 = arith.constant 0 : index
    %get3A_19 = arith.constant 0 : index
    %get3A_20 = vector.load %arg3[%get3A_17, %get3A_18, %get3A_19] : memref<8x224x36xf32, #tpu.memory_space<vmem>>, vector<1x224x36xf32>
    %mul3A_21 = vector.broadcast %select_n3A_5 : f32 to vector<1x224x36xf32>
    %mul3A_22 = arith.mulf %get3A_20, %mul3A_21 : vector<1x224x36xf32>
    %get3A_23 = arith.constant 7 : index
    %get3A_24 = arith.constant 0 : index
    %get3A_25 = arith.constant 0 : index
    %get3A_26 = vector.load %arg2[%get3A_23, %get3A_24, %get3A_25] : memref<8x224x36xf32, #tpu.memory_space<vmem>>, vector<1x224x36xf32>
    %sub3A_27 = arith.constant 1.000000e+00 : f32
    %sub3A_28 = arith.subf %sub3A_27, %select_n3A_5 : f32
    %mul3A_29 = vector.broadcast %sub3A_28 : f32 to vector<1x224x36xf32>
    %mul3A_30 = arith.mulf %get3A_26, %mul3A_29 : vector<1x224x36xf32>
    %add3A_31 = arith.addf %mul3A_22, %mul3A_30 : vector<1x224x36xf32>
    %get3A_32 = arith.constant 0 : index
    %get3A_33 = arith.constant 0 : index
    %get3A_34 = arith.constant 0 : index
    %get3A_35 = vector.load %arg2[%get3A_32, %get3A_33, %get3A_34] : memref<8x224x36xf32, #tpu.memory_space<vmem>>, vector<8x224x36xf32>
    %concatenate3A = tpu.concatenate %add3A, %get3A_35, %add3A_31 in 0 : vector<1x224x36xf32>, vector<8x224x36xf32>, vector<1x224x36xf32> -> vector<10x224x36xf32>
    %slice3A = vector.extract_strided_slice %concatenate3A {offsets = [0, 0, 0], sizes = [8, 224, 36], strides = [1, 1, 1]} : vector<10x224x36xf32> to vector<8x224x36xf32>
    %mul3A_36 = arith.constant 2.500000e-01 : f32
    %mul3A_37 = vector.broadcast %mul3A_36 : f32 to vector<8x224x36xf32>
    %mul3A_38 = arith.mulf %mul3A_37, %slice3A : vector<8x224x36xf32>
    %slice3A_39 = vector.extract_strided_slice %concatenate3A {offsets = [1, 0, 0], sizes = [8, 224, 36], strides = [1, 1, 1]} : vector<10x224x36xf32> to vector<8x224x36xf32>
    %mul3A_40 = arith.constant 7.500000e-01 : f32
    %mul3A_41 = vector.broadcast %mul3A_40 : f32 to vector<8x224x36xf32>
    %mul3A_42 = arith.mulf %mul3A_41, %slice3A_39 : vector<8x224x36xf32>
    %add3A_43 = arith.addf %mul3A_38, %mul3A_42 : vector<8x224x36xf32>
    %slice3A_44 = vector.extract_strided_slice %concatenate3A {offsets = [1, 0, 0], sizes = [8, 224, 36], strides = [1, 1, 1]} : vector<10x224x36xf32> to vector<8x224x36xf32>
    %mul3A_45 = arith.constant 7.500000e-01 : f32
    %mul3A_46 = vector.broadcast %mul3A_45 : f32 to vector<8x224x36xf32>
    %mul3A_47 = arith.mulf %mul3A_46, %slice3A_44 : vector<8x224x36xf32>
    %slice3A_48 = vector.extract_strided_slice %concatenate3A {offsets = [2, 0, 0], sizes = [8, 224, 36], strides = [1, 1, 1]} : vector<10x224x36xf32> to vector<8x224x36xf32>
    %mul3A_49 = arith.constant 2.500000e-01 : f32
    %mul3A_50 = vector.broadcast %mul3A_49 : f32 to vector<8x224x36xf32>
    %mul3A_51 = arith.mulf %mul3A_50, %slice3A_48 : vector<8x224x36xf32>
    %add3A_52 = arith.addf %mul3A_47, %mul3A_51 : vector<8x224x36xf32>
    %gt3A_53 = arith.constant 0 : i32
    %gt3A_54 = arith.cmpi sgt, %arg0, %gt3A_53 : i32
    %jit3A_55 = arith.constant 1.000000e+00 : f32
    %jit3A_56 = arith.constant 0.000000e+00 : f32
    %select_n3A_57 = arith.select %gt3A_54, %jit3A_55, %jit3A_56 : f32
    %lt3A_58 = arith.constant 27 : i32
    %lt3A_59 = arith.cmpi slt, %arg0, %lt3A_58 : i32
    %jit3A_60 = arith.constant 1.000000e+00 : f32
    %jit3A_61 = arith.constant 0.000000e+00 : f32
    %select_n3A_62 = arith.select %lt3A_59, %jit3A_60, %jit3A_61 : f32
    %get3A_63 = arith.constant 7 : index
    %get3A_64 = arith.constant 0 : index
    %get3A_65 = arith.constant 0 : index
    %get3A_66 = vector.load %arg4[%get3A_63, %get3A_64, %get3A_65] : memref<8x224x2xf32, #tpu.memory_space<vmem>>, vector<1x224x2xf32>
    %mul3A_67 = vector.broadcast %select_n3A_57 : f32 to vector<1x224x2xf32>
    %mul3A_68 = arith.mulf %get3A_66, %mul3A_67 : vector<1x224x2xf32>
    %get3A_69 = arith.constant 0 : index
    %get3A_70 = arith.constant 0 : index
    %get3A_71 = arith.constant 0 : index
    %get3A_72 = vector.load %arg5[%get3A_69, %get3A_70, %get3A_71] : memref<8x224x2xf32, #tpu.memory_space<vmem>>, vector<1x224x2xf32>
    %sub3A_73 = arith.constant 1.000000e+00 : f32
    %sub3A_74 = arith.subf %sub3A_73, %select_n3A_57 : f32
    %mul3A_75 = vector.broadcast %sub3A_74 : f32 to vector<1x224x2xf32>
    %mul3A_76 = arith.mulf %get3A_72, %mul3A_75 : vector<1x224x2xf32>
    %add3A_77 = arith.addf %mul3A_68, %mul3A_76 : vector<1x224x2xf32>
    %get3A_78 = arith.constant 0 : index
    %get3A_79 = arith.constant 0 : index
    %get3A_80 = arith.constant 0 : index
    %get3A_81 = vector.load %arg6[%get3A_78, %get3A_79, %get3A_80] : memref<8x224x2xf32, #tpu.memory_space<vmem>>, vector<1x224x2xf32>
    %mul3A_82 = vector.broadcast %select_n3A_62 : f32 to vector<1x224x2xf32>
    %mul3A_83 = arith.mulf %get3A_81, %mul3A_82 : vector<1x224x2xf32>
    %get3A_84 = arith.constant 7 : index
    %get3A_85 = arith.constant 0 : index
    %get3A_86 = arith.constant 0 : index
    %get3A_87 = vector.load %arg5[%get3A_84, %get3A_85, %get3A_86] : memref<8x224x2xf32, #tpu.memory_space<vmem>>, vector<1x224x2xf32>
    %sub3A_88 = arith.constant 1.000000e+00 : f32
    %sub3A_89 = arith.subf %sub3A_88, %select_n3A_62 : f32
    %mul3A_90 = vector.broadcast %sub3A_89 : f32 to vector<1x224x2xf32>
    %mul3A_91 = arith.mulf %get3A_87, %mul3A_90 : vector<1x224x2xf32>
    %add3A_92 = arith.addf %mul3A_83, %mul3A_91 : vector<1x224x2xf32>
    %get3A_93 = arith.constant 0 : index
    %get3A_94 = arith.constant 0 : index
    %get3A_95 = arith.constant 0 : index
    %get3A_96 = vector.load %arg5[%get3A_93, %get3A_94, %get3A_95] : memref<8x224x2xf32, #tpu.memory_space<vmem>>, vector<8x224x2xf32>
    %concatenate3A_97 = tpu.concatenate %add3A_77, %get3A_96, %add3A_92 in 0 : vector<1x224x2xf32>, vector<8x224x2xf32>, vector<1x224x2xf32> -> vector<10x224x2xf32>
    %slice3A_98 = vector.extract_strided_slice %concatenate3A_97 {offsets = [0, 0, 0], sizes = [8, 224, 2], strides = [1, 1, 1]} : vector<10x224x2xf32> to vector<8x224x2xf32>
    %mul3A_99 = arith.constant 2.500000e-01 : f32
    %mul3A_100 = vector.broadcast %mul3A_99 : f32 to vector<8x224x2xf32>
    %mul3A_101 = arith.mulf %mul3A_100, %slice3A_98 : vector<8x224x2xf32>
    %slice3A_102 = vector.extract_strided_slice %concatenate3A_97 {offsets = [1, 0, 0], sizes = [8, 224, 2], strides = [1, 1, 1]} : vector<10x224x2xf32> to vector<8x224x2xf32>
    %mul3A_103 = arith.constant 7.500000e-01 : f32
    %mul3A_104 = vector.broadcast %mul3A_103 : f32 to vector<8x224x2xf32>
    %mul3A_105 = arith.mulf %mul3A_104, %slice3A_102 : vector<8x224x2xf32>
    %add3A_106 = arith.addf %mul3A_101, %mul3A_105 : vector<8x224x2xf32>
    %slice3A_107 = vector.extract_strided_slice %concatenate3A_97 {offsets = [1, 0, 0], sizes = [8, 224, 2], strides = [1, 1, 1]} : vector<10x224x2xf32> to vector<8x224x2xf32>
    %mul3A_108 = arith.constant 7.500000e-01 : f32
    %mul3A_109 = vector.broadcast %mul3A_108 : f32 to vector<8x224x2xf32>
    %mul3A_110 = arith.mulf %mul3A_109, %slice3A_107 : vector<8x224x2xf32>
    %slice3A_111 = vector.extract_strided_slice %concatenate3A_97 {offsets = [2, 0, 0], sizes = [8, 224, 2], strides = [1, 1, 1]} : vector<10x224x2xf32> to vector<8x224x2xf32>
    %mul3A_112 = arith.constant 2.500000e-01 : f32
    %mul3A_113 = vector.broadcast %mul3A_112 : f32 to vector<8x224x2xf32>
    %mul3A_114 = arith.mulf %mul3A_113, %slice3A_111 : vector<8x224x2xf32>
    %add3A_115 = arith.addf %mul3A_110, %mul3A_114 : vector<8x224x2xf32>
    %get3A_116 = arith.constant 0 : index
    %get3A_117 = arith.constant 0 : index
    %get3A_118 = arith.constant 0 : index
    %get3A_119 = vector.load %arg7[%get3A_116, %get3A_117, %get3A_118] : memref<8x224x1xf32, #tpu.memory_space<vmem>>, vector<8x224x1xf32>
    %slice3A_120 = vector.extract_strided_slice %add3A_43 {offsets = [0, 0, 0], sizes = [8, 1, 36], strides = [1, 1, 1]} : vector<8x224x36xf32> to vector<8x1x36xf32>
    %slice3A_121 = vector.extract_strided_slice %add3A_43 {offsets = [0, 0, 0], sizes = [8, 223, 36], strides = [1, 1, 1]} : vector<8x224x36xf32> to vector<8x223x36xf32>
    %concatenate3A_122 = tpu.concatenate %slice3A_120, %slice3A_121 in 1 : vector<8x1x36xf32>, vector<8x223x36xf32> -> vector<8x224x36xf32>
    %slice3A_123 = vector.extract_strided_slice %add3A_43 {offsets = [0, 1, 0], sizes = [8, 223, 36], strides = [1, 1, 1]} : vector<8x224x36xf32> to vector<8x223x36xf32>
    %slice3A_124 = vector.extract_strided_slice %add3A_43 {offsets = [0, 223, 0], sizes = [8, 1, 36], strides = [1, 1, 1]} : vector<8x224x36xf32> to vector<8x1x36xf32>
    %concatenate3A_125 = tpu.concatenate %slice3A_123, %slice3A_124 in 1 : vector<8x223x36xf32>, vector<8x1x36xf32> -> vector<8x224x36xf32>
    %mul3A_126 = arith.constant 2.500000e-01 : f32
    %mul3A_127 = vector.broadcast %mul3A_126 : f32 to vector<8x224x36xf32>
    %mul3A_128 = arith.mulf %mul3A_127, %concatenate3A_122 : vector<8x224x36xf32>
    %mul3A_129 = arith.constant 7.500000e-01 : f32
    %mul3A_130 = vector.broadcast %mul3A_129 : f32 to vector<8x224x36xf32>
    %mul3A_131 = arith.mulf %mul3A_130, %add3A_43 : vector<8x224x36xf32>
    %add3A_132 = arith.addf %mul3A_128, %mul3A_131 : vector<8x224x36xf32>
    %mul3A_133 = arith.constant 7.500000e-01 : f32
    %mul3A_134 = vector.broadcast %mul3A_133 : f32 to vector<8x224x36xf32>
    %mul3A_135 = arith.mulf %mul3A_134, %add3A_43 : vector<8x224x36xf32>
    %mul3A_136 = arith.constant 2.500000e-01 : f32
    %mul3A_137 = vector.broadcast %mul3A_136 : f32 to vector<8x224x36xf32>
    %mul3A_138 = arith.mulf %mul3A_137, %concatenate3A_125 : vector<8x224x36xf32>
    %add3A_139 = arith.addf %mul3A_135, %mul3A_138 : vector<8x224x36xf32>
    %slice3A_140 = vector.extract_strided_slice %add3A_106 {offsets = [0, 0, 0], sizes = [8, 1, 2], strides = [1, 1, 1]} : vector<8x224x2xf32> to vector<8x1x2xf32>
    %slice3A_141 = vector.extract_strided_slice %add3A_106 {offsets = [0, 0, 0], sizes = [8, 223, 2], strides = [1, 1, 1]} : vector<8x224x2xf32> to vector<8x223x2xf32>
    %concatenate3A_142 = tpu.concatenate %slice3A_140, %slice3A_141 in 1 : vector<8x1x2xf32>, vector<8x223x2xf32> -> vector<8x224x2xf32>
    %slice3A_143 = vector.extract_strided_slice %add3A_106 {offsets = [0, 1, 0], sizes = [8, 223, 2], strides = [1, 1, 1]} : vector<8x224x2xf32> to vector<8x223x2xf32>
    %slice3A_144 = vector.extract_strided_slice %add3A_106 {offsets = [0, 223, 0], sizes = [8, 1, 2], strides = [1, 1, 1]} : vector<8x224x2xf32> to vector<8x1x2xf32>
    %concatenate3A_145 = tpu.concatenate %slice3A_143, %slice3A_144 in 1 : vector<8x223x2xf32>, vector<8x1x2xf32> -> vector<8x224x2xf32>
    %mul3A_146 = arith.constant 2.500000e-01 : f32
    %mul3A_147 = vector.broadcast %mul3A_146 : f32 to vector<8x224x2xf32>
    %mul3A_148 = arith.mulf %mul3A_147, %concatenate3A_142 : vector<8x224x2xf32>
    %mul3A_149 = arith.constant 7.500000e-01 : f32
    %mul3A_150 = vector.broadcast %mul3A_149 : f32 to vector<8x224x2xf32>
    %mul3A_151 = arith.mulf %mul3A_150, %add3A_106 : vector<8x224x2xf32>
    %add3A_152 = arith.addf %mul3A_148, %mul3A_151 : vector<8x224x2xf32>
    %mul3A_153 = arith.constant 7.500000e-01 : f32
    %mul3A_154 = vector.broadcast %mul3A_153 : f32 to vector<8x224x2xf32>
    %mul3A_155 = arith.mulf %mul3A_154, %add3A_106 : vector<8x224x2xf32>
    %mul3A_156 = arith.constant 2.500000e-01 : f32
    %mul3A_157 = vector.broadcast %mul3A_156 : f32 to vector<8x224x2xf32>
    %mul3A_158 = arith.mulf %mul3A_157, %concatenate3A_145 : vector<8x224x2xf32>
    %add3A_159 = arith.addf %mul3A_155, %mul3A_158 : vector<8x224x2xf32>
    %swap3A = arith.constant 0 : index
    %swap3A_160 = arith.constant 0 : index
    %swap3A_161 = arith.constant 0 : index
    %swap3A_162 = vector.load %arg8[%swap3A, %swap3A_160, %swap3A_161] : memref<8x224x36xf32, #tpu.memory_space<vmem>>, vector<8x224x36xf32>
    tpu.vector_store %arg8[%swap3A, %swap3A_160, %swap3A_161], %add3A_132 {strides = array<i32>} : memref<8x224x36xf32, #tpu.memory_space<vmem>>, vector<8x224x36xf32>,
    %swap3A_163 = arith.constant 0 : index
    %swap3A_164 = arith.constant 0 : index
    %swap3A_165 = arith.constant 0 : index
    %swap3A_166 = vector.load %arg9[%swap3A_163, %swap3A_164, %swap3A_165] : memref<8x224x36xf32, #tpu.memory_space<vmem>>, vector<8x224x36xf32>
    tpu.vector_store %arg9[%swap3A_163, %swap3A_164, %swap3A_165], %add3A_139 {strides = array<i32>} : memref<8x224x36xf32, #tpu.memory_space<vmem>>, vector<8x224x36xf32>,
    %slice3A_167 = vector.extract_strided_slice %add3A_152 {offsets = [0, 0, 0], sizes = [8, 224, 1], strides = [1, 1, 1]} : vector<8x224x2xf32> to vector<8x224x1xf32>
    %slice3A_168 = vector.extract_strided_slice %add3A_152 {offsets = [0, 0, 1], sizes = [8, 224, 1], strides = [1, 1, 1]} : vector<8x224x2xf32> to vector<8x224x1xf32>
    %gt3A_169 = arith.cmpf ogt, %slice3A_167, %slice3A_168 : vector<8x224x1xf32>
    %convert_element_type3A = arith.extui %gt3A_169 : vector<8x224x1xi1> to vector<8x224x1xi32>
    %convert_element_type3A_170 = arith.sitofp %convert_element_type3A : vector<8x224x1xi32> to vector<8x224x1xf32>
    %mul3A_171 = arith.mulf %convert_element_type3A_170, %get3A_119 : vector<8x224x1xf32>
    %swap3A_172 = arith.constant 0 : index
    %swap3A_173 = arith.constant 0 : index
    %swap3A_174 = arith.constant 0 : index
    %swap3A_175 = vector.load %arg12[%swap3A_172, %swap3A_173, %swap3A_174] : memref<8x224x1xf32, #tpu.memory_space<vmem>>, vector<8x224x1xf32>
    tpu.vector_store %arg12[%swap3A_172, %swap3A_173, %swap3A_174], %mul3A_171 {strides = array<i32>} : memref<8x224x1xf32, #tpu.memory_space<vmem>>, vector<8x224x1xf32>,
    %slice3A_176 = vector.extract_strided_slice %add3A_159 {offsets = [0, 0, 0], sizes = [8, 224, 1], strides = [1, 1, 1]} : vector<8x224x2xf32> to vector<8x224x1xf32>
    %slice3A_177 = vector.extract_strided_slice %add3A_159 {offsets = [0, 0, 1], sizes = [8, 224, 1], strides = [1, 1, 1]} : vector<8x224x2xf32> to vector<8x224x1xf32>
    %gt3A_178 = arith.cmpf ogt, %slice3A_176, %slice3A_177 : vector<8x224x1xf32>
    %convert_element_type3A_179 = arith.extui %gt3A_178 : vector<8x224x1xi1> to vector<8x224x1xi32>
    %convert_element_type3A_180 = arith.sitofp %convert_element_type3A_179 : vector<8x224x1xi32> to vector<8x224x1xf32>
    %mul3A_181 = arith.mulf %convert_element_type3A_180, %get3A_119 : vector<8x224x1xf32>
    %swap3A_182 = arith.constant 0 : index
    %swap3A_183 = arith.constant 0 : index
    %swap3A_184 = arith.constant 0 : index
    %swap3A_185 = vector.load %arg13[%swap3A_182, %swap3A_183, %swap3A_184] : memref<8x224x1xf32, #tpu.memory_space<vmem>>, vector<8x224x1xf32>
    tpu.vector_store %arg13[%swap3A_182, %swap3A_183, %swap3A_184], %mul3A_181 {strides = array<i32>} : memref<8x224x1xf32, #tpu.memory_space<vmem>>, vector<8x224x1xf32>,
    %slice3A_186 = vector.extract_strided_slice %add3A_52 {offsets = [0, 0, 0], sizes = [8, 1, 36], strides = [1, 1, 1]} : vector<8x224x36xf32> to vector<8x1x36xf32>
    %slice3A_187 = vector.extract_strided_slice %add3A_52 {offsets = [0, 0, 0], sizes = [8, 223, 36], strides = [1, 1, 1]} : vector<8x224x36xf32> to vector<8x223x36xf32>
    %concatenate3A_188 = tpu.concatenate %slice3A_186, %slice3A_187 in 1 : vector<8x1x36xf32>, vector<8x223x36xf32> -> vector<8x224x36xf32>
    %slice3A_189 = vector.extract_strided_slice %add3A_52 {offsets = [0, 1, 0], sizes = [8, 223, 36], strides = [1, 1, 1]} : vector<8x224x36xf32> to vector<8x223x36xf32>
    %slice3A_190 = vector.extract_strided_slice %add3A_52 {offsets = [0, 223, 0], sizes = [8, 1, 36], strides = [1, 1, 1]} : vector<8x224x36xf32> to vector<8x1x36xf32>
    %concatenate3A_191 = tpu.concatenate %slice3A_189, %slice3A_190 in 1 : vector<8x223x36xf32>, vector<8x1x36xf32> -> vector<8x224x36xf32>
    %mul3A_192 = arith.constant 2.500000e-01 : f32
    %mul3A_193 = vector.broadcast %mul3A_192 : f32 to vector<8x224x36xf32>
    %mul3A_194 = arith.mulf %mul3A_193, %concatenate3A_188 : vector<8x224x36xf32>
    %mul3A_195 = arith.constant 7.500000e-01 : f32
    %mul3A_196 = vector.broadcast %mul3A_195 : f32 to vector<8x224x36xf32>
    %mul3A_197 = arith.mulf %mul3A_196, %add3A_52 : vector<8x224x36xf32>
    %add3A_198 = arith.addf %mul3A_194, %mul3A_197 : vector<8x224x36xf32>
    %mul3A_199 = arith.constant 7.500000e-01 : f32
    %mul3A_200 = vector.broadcast %mul3A_199 : f32 to vector<8x224x36xf32>
    %mul3A_201 = arith.mulf %mul3A_200, %add3A_52 : vector<8x224x36xf32>
    %mul3A_202 = arith.constant 2.500000e-01 : f32
    %mul3A_203 = vector.broadcast %mul3A_202 : f32 to vector<8x224x36xf32>
    %mul3A_204 = arith.mulf %mul3A_203, %concatenate3A_191 : vector<8x224x36xf32>
    %add3A_205 = arith.addf %mul3A_201, %mul3A_204 : vector<8x224x36xf32>
    %slice3A_206 = vector.extract_strided_slice %add3A_115 {offsets = [0, 0, 0], sizes = [8, 1, 2], strides = [1, 1, 1]} : vector<8x224x2xf32> to vector<8x1x2xf32>
    %slice3A_207 = vector.extract_strided_slice %add3A_115 {offsets = [0, 0, 0], sizes = [8, 223, 2], strides = [1, 1, 1]} : vector<8x224x2xf32> to vector<8x223x2xf32>
    %concatenate3A_208 = tpu.concatenate %slice3A_206, %slice3A_207 in 1 : vector<8x1x2xf32>, vector<8x223x2xf32> -> vector<8x224x2xf32>
    %slice3A_209 = vector.extract_strided_slice %add3A_115 {offsets = [0, 1, 0], sizes = [8, 223, 2], strides = [1, 1, 1]} : vector<8x224x2xf32> to vector<8x223x2xf32>
    %slice3A_210 = vector.extract_strided_slice %add3A_115 {offsets = [0, 223, 0], sizes = [8, 1, 2], strides = [1, 1, 1]} : vector<8x224x2xf32> to vector<8x1x2xf32>
    %concatenate3A_211 = tpu.concatenate %slice3A_209, %slice3A_210 in 1 : vector<8x223x2xf32>, vector<8x1x2xf32> -> vector<8x224x2xf32>
    %mul3A_212 = arith.constant 2.500000e-01 : f32
    %mul3A_213 = vector.broadcast %mul3A_212 : f32 to vector<8x224x2xf32>
    %mul3A_214 = arith.mulf %mul3A_213, %concatenate3A_208 : vector<8x224x2xf32>
    %mul3A_215 = arith.constant 7.500000e-01 : f32
    %mul3A_216 = vector.broadcast %mul3A_215 : f32 to vector<8x224x2xf32>
    %mul3A_217 = arith.mulf %mul3A_216, %add3A_115 : vector<8x224x2xf32>
    %add3A_218 = arith.addf %mul3A_214, %mul3A_217 : vector<8x224x2xf32>
    %mul3A_219 = arith.constant 7.500000e-01 : f32
    %mul3A_220 = vector.broadcast %mul3A_219 : f32 to vector<8x224x2xf32>
    %mul3A_221 = arith.mulf %mul3A_220, %add3A_115 : vector<8x224x2xf32>
    %mul3A_222 = arith.constant 2.500000e-01 : f32
    %mul3A_223 = vector.broadcast %mul3A_222 : f32 to vector<8x224x2xf32>
    %mul3A_224 = arith.mulf %mul3A_223, %concatenate3A_211 : vector<8x224x2xf32>
    %add3A_225 = arith.addf %mul3A_221, %mul3A_224 : vector<8x224x2xf32>
    %swap3A_226 = arith.constant 0 : index
    %swap3A_227 = arith.constant 0 : index
    %swap3A_228 = arith.constant 0 : index
    %swap3A_229 = vector.load %arg10[%swap3A_226, %swap3A_227, %swap3A_228] : memref<8x224x36xf32, #tpu.memory_space<vmem>>, vector<8x224x36xf32>
    tpu.vector_store %arg10[%swap3A_226, %swap3A_227, %swap3A_228], %add3A_198 {strides = array<i32>} : memref<8x224x36xf32, #tpu.memory_space<vmem>>, vector<8x224x36xf32>,
    %swap3A_230 = arith.constant 0 : index
    %swap3A_231 = arith.constant 0 : index
    %swap3A_232 = arith.constant 0 : index
    %swap3A_233 = vector.load %arg11[%swap3A_230, %swap3A_231, %swap3A_232] : memref<8x224x36xf32, #tpu.memory_space<vmem>>, vector<8x224x36xf32>
    tpu.vector_store %arg11[%swap3A_230, %swap3A_231, %swap3A_232], %add3A_205 {strides = array<i32>} : memref<8x224x36xf32, #tpu.memory_space<vmem>>, vector<8x224x36xf32>,
    %slice3A_234 = vector.extract_strided_slice %add3A_218 {offsets = [0, 0, 0], sizes = [8, 224, 1], strides = [1, 1, 1]} : vector<8x224x2xf32> to vector<8x224x1xf32>
    %slice3A_235 = vector.extract_strided_slice %add3A_218 {offsets = [0, 0, 1], sizes = [8, 224, 1], strides = [1, 1, 1]} : vector<8x224x2xf32> to vector<8x224x1xf32>
    %gt3A_236 = arith.cmpf ogt, %slice3A_234, %slice3A_235 : vector<8x224x1xf32>
    %convert_element_type3A_237 = arith.extui %gt3A_236 : vector<8x224x1xi1> to vector<8x224x1xi32>
    %convert_element_type3A_238 = arith.sitofp %convert_element_type3A_237 : vector<8x224x1xi32> to vector<8x224x1xf32>
    %mul3A_239 = arith.mulf %convert_element_type3A_238, %get3A_119 : vector<8x224x1xf32>
    %swap3A_240 = arith.constant 0 : index
    %swap3A_241 = arith.constant 0 : index
    %swap3A_242 = arith.constant 0 : index
    %swap3A_243 = vector.load %arg14[%swap3A_240, %swap3A_241, %swap3A_242] : memref<8x224x1xf32, #tpu.memory_space<vmem>>, vector<8x224x1xf32>
    tpu.vector_store %arg14[%swap3A_240, %swap3A_241, %swap3A_242], %mul3A_239 {strides = array<i32>} : memref<8x224x1xf32, #tpu.memory_space<vmem>>, vector<8x224x1xf32>,
    %slice3A_244 = vector.extract_strided_slice %add3A_225 {offsets = [0, 0, 0], sizes = [8, 224, 1], strides = [1, 1, 1]} : vector<8x224x2xf32> to vector<8x224x1xf32>
    %slice3A_245 = vector.extract_strided_slice %add3A_225 {offsets = [0, 0, 1], sizes = [8, 224, 1], strides = [1, 1, 1]} : vector<8x224x2xf32> to vector<8x224x1xf32>
    %gt3A_246 = arith.cmpf ogt, %slice3A_244, %slice3A_245 : vector<8x224x1xf32>
    %convert_element_type3A_247 = arith.extui %gt3A_246 : vector<8x224x1xi1> to vector<8x224x1xi32>
    %convert_element_type3A_248 = arith.sitofp %convert_element_type3A_247 : vector<8x224x1xi32> to vector<8x224x1xf32>
    %mul3A_249 = arith.mulf %convert_element_type3A_248, %get3A_119 : vector<8x224x1xf32>
    %swap3A_250 = arith.constant 0 : index
    %swap3A_251 = arith.constant 0 : index
    %swap3A_252 = arith.constant 0 : index
    %swap3A_253 = vector.load %arg15[%swap3A_250, %swap3A_251, %swap3A_252] : memref<8x224x1xf32, #tpu.memory_space<vmem>>, vector<8x224x1xf32>
    tpu.vector_store %arg15[%swap3A_250, %swap3A_251, %swap3A_252], %mul3A_249 {strides = array<i32>} : memref<8x224x1xf32, #tpu.memory_space<vmem>>, vector<8x224x1xf32>,
    return
  }
  func.func @transform_0(%arg0: i32) -> (i32, i32, i32) {
    %sub3A = arith.constant 1 : i32
    %sub3A_0 = arith.subi %arg0, %sub3A : i32
    %max3A = arith.constant 0 : i32
    %max3A_1 = arith.maxsi %sub3A_0, %max3A : i32
    %c0_i32 = arith.constant 0 : i32
    %c0_i32_2 = arith.constant 0 : i32
    %c0_i32_3 = arith.constant 0 : i32
    return %max3A_1, %c0_i32, %c0_i32_2 : i32, i32, i32
  }
  func.func @transform_1(%arg0: i32) -> (i32, i32, i32) {
    %c0_i32 = arith.constant 0 : i32
    %c0_i32_0 = arith.constant 0 : i32
    %c0_i32_1 = arith.constant 0 : i32
    return %arg0, %c0_i32, %c0_i32_0 : i32, i32, i32
  }
  func.func @transform_2(%arg0: i32) -> (i32, i32, i32) {
    %add3A = arith.constant 1 : i32
    %add3A_0 = arith.addi %arg0, %add3A : i32
    %min3A = arith.constant 27 : i32
    %min3A_1 = arith.minsi %add3A_0, %min3A : i32
    %c0_i32 = arith.constant 0 : i32
    %c0_i32_2 = arith.constant 0 : i32
    %c0_i32_3 = arith.constant 0 : i32
    return %min3A_1, %c0_i32, %c0_i32_2 : i32, i32, i32
  }
  func.func @transform_3(%arg0: i32) -> (i32, i32, i32) {
    %sub3A = arith.constant 1 : i32
    %sub3A_0 = arith.subi %arg0, %sub3A : i32
    %max3A = arith.constant 0 : i32
    %max3A_1 = arith.maxsi %sub3A_0, %max3A : i32
    %c0_i32 = arith.constant 0 : i32
    %c0_i32_2 = arith.constant 0 : i32
    %c0_i32_3 = arith.constant 0 : i32
    return %max3A_1, %c0_i32, %c0_i32_2 : i32, i32, i32
  }
  func.func @transform_4(%arg0: i32) -> (i32, i32, i32) {
    %c0_i32 = arith.constant 0 : i32
    %c0_i32_0 = arith.constant 0 : i32
    %c0_i32_1 = arith.constant 0 : i32
    return %arg0, %c0_i32, %c0_i32_0 : i32, i32, i32
  }
  func.func @transform_5(%arg0: i32) -> (i32, i32, i32) {
    %add3A = arith.constant 1 : i32
    %add3A_0 = arith.addi %arg0, %add3A : i32
    %min3A = arith.constant 27 : i32
    %min3A_1 = arith.minsi %add3A_0, %min3A : i32
    %c0_i32 = arith.constant 0 : i32
    %c0_i32_2 = arith.constant 0 : i32
    %c0_i32_3 = arith.constant 0 : i32
    return %min3A_1, %c0_i32, %c0_i32_2 : i32, i32, i32
  }
  func.func @transform_6(%arg0: i32) -> (i32, i32, i32) {
    %c0_i32 = arith.constant 0 : i32
    %c0_i32_0 = arith.constant 0 : i32
    %c0_i32_1 = arith.constant 0 : i32
    return %arg0, %c0_i32, %c0_i32_0 : i32, i32, i32
  }
  func.func @transform_7(%arg0: i32) -> (i32, i32, i32) {
    %c0_i32 = arith.constant 0 : i32
    %c0_i32_0 = arith.constant 0 : i32
    %c0_i32_1 = arith.constant 0 : i32
    return %arg0, %c0_i32, %c0_i32_0 : i32, i32, i32
  }
  func.func @transform_8(%arg0: i32) -> (i32, i32, i32) {
    %c0_i32 = arith.constant 0 : i32
    %c0_i32_0 = arith.constant 0 : i32
    %c0_i32_1 = arith.constant 0 : i32
    return %arg0, %c0_i32, %c0_i32_0 : i32, i32, i32
  }
  func.func @transform_9(%arg0: i32) -> (i32, i32, i32) {
    %c0_i32 = arith.constant 0 : i32
    %c0_i32_0 = arith.constant 0 : i32
    %c0_i32_1 = arith.constant 0 : i32
    return %arg0, %c0_i32, %c0_i32_0 : i32, i32, i32
  }
  func.func @transform_10(%arg0: i32) -> (i32, i32, i32) {
    %c0_i32 = arith.constant 0 : i32
    %c0_i32_0 = arith.constant 0 : i32
    %c0_i32_1 = arith.constant 0 : i32
    return %arg0, %c0_i32, %c0_i32_0 : i32, i32, i32
  }
  func.func @transform_11(%arg0: i32) -> (i32, i32, i32) {
    %c0_i32 = arith.constant 0 : i32
    %c0_i32_0 = arith.constant 0 : i32
    %c0_i32_1 = arith.constant 0 : i32
    return %arg0, %c0_i32, %c0_i32_0 : i32, i32, i32
  }
  func.func @transform_12(%arg0: i32) -> (i32, i32, i32) {
    %c0_i32 = arith.constant 0 : i32
    %c0_i32_0 = arith.constant 0 : i32
    %c0_i32_1 = arith.constant 0 : i32
    return %arg0, %c0_i32, %c0_i32_0 : i32, i32, i32
  }
  func.func @transform_13(%arg0: i32) -> (i32, i32, i32) {
    %c0_i32 = arith.constant 0 : i32
    %c0_i32_0 = arith.constant 0 : i32
    %c0_i32_1 = arith.constant 0 : i32
    return %arg0, %c0_i32, %c0_i32_0 : i32, i32, i32
  }
  func.func @transform_14(%arg0: i32) -> (i32, i32, i32) {
    %c0_i32 = arith.constant 0 : i32
    %c0_i32_0 = arith.constant 0 : i32
    %c0_i32_1 = arith.constant 0 : i32
    return %arg0, %c0_i32, %c0_i32_0 : i32, i32, i32
  }
}

</mosaic_0001>

<sc_bundles>
// kernel: kernel.12.cloned.1.call-start
scs
__scs_entry_jumppad:
0x0: {  	(pc) =	sbr.rel $0x88, $3  }
0x1: {  	(tag) =	ssettag $0x0;
	lr =	simm.s32 $0x1  }
0x2: {  	[smem:$0x3F8E] =	sst lr;
	_ =	strace $0xD0000000  }
0x3: {  	_ = 	snop  }
0x4: {  	_ = 	snop  }
0x5: {  	_ = 	snop  }
0x6: {  	_ = 	snop  }
0x7: {  	_ = 	snop  }
__scs_overlays_trampoline_lowered:
0x8: {  	[smem:$0x3F9D] =	sst s0  }
0x9: {  	[smem:$0x3F9E] =	sst s1  }
0xa: {  	[smem:$0x3F9F] =	sst s2  }
0xb: {  	[smem:$0x3FA0] =	sst s3  }
0xc: {  	[smem:$0x3FA1] =	sst s4  }
0xd: {  	[smem:$0x3FA2] =	sst s5  }
0xe: {  	[smem:$0x3FA3] =	sst s6  }
0xf: {  	[smem:$0x3FA4] =	sst s7  }
0x10: {  	[smem:$0x3FA5] =	sst s8  }
0x11: {  	[smem:$0x3FA6] =	sst s9;
	s0 =	simm.s32 @!p0 $0x0  }
0x12: {  	s1 =	sld [smem:$0x3F8C];
	s0 =	simm.s32 @p0 $0x1  }
0x13: {  	[smem:$0x3FA7] =	sst s0;
	s0 =	simm.s32 @!p1 $0x0  }
0x14: {  	s2 =	sld [smem:$0x3F8B];
	s0 =	simm.s32 @p1 $0x1  }
0x15: {  	[smem:$0x3FA8] =	sst s0;
	s0 =	simm.s32 @!p2 $0x0  }
0x16: {  	s3 =	sld [smem:$0x3FDB];
	s0 =	simm.s32 @p2 $0x1  }
0x17: {  	s4 =	simm.s32 $0x1BF5;
	[smem:$0x3FAA] =	sst s0  }
0x18: {  	s0 =	sld [smem:$0x3F8D];
	_ =	swait.ge [sflag:s4], $0x0  }
0x19: {  	s7 =	sld [smem:$0x3F8E]  }
0x1a: {  	s8 =	sadd.s32 $0xFFFFE003, lr  }
0x1b: {  	s9 =	sadd.s32 $0xFFFFFEF7, lr;
	s5 =	simm.s32 $0xFFFFFFFF;
	p2 =	slt.u32 s8, $0xFFFFF086  }
0x1c: {  	p1 =	slt.u32 s9, $0xF7A;
	s5 =	simm.s32 @!p2 $0x0  }
0x1d: {  	s5 =	simm.s32 @p1 $0x1;
	p0 =	seq.s32 s7, s2  }
0x1e: {  	s7 =	smul.u32 @!p0 $0xF7A, s2;
	p2 =	seq.s32 @!p0 s5, $0x0  }
0x1f: {  	s9 =	smul.u32 $0xF7A, s1;
	s8 =	simm.s32 @!p0 $0x1BF5;
	p2 =	por !p2, p0  }
0x20: {  	[sflag:s8] =	ssyncset.s32 @!p0 $0xFFFFF086;
	s6 =	sadd.s32 @!p0 s3, s7;
	s7 =	simm.s32 @!p0 $0x108  }
0x21: {  	s3 =	sadd.s32 s3, s9;
	s6 =	sadd.s32 @!p0 $0x88, s6;
	s7 =	simm.s32 @p2 $0x1082  }
0x22: {  	[simem:s7], [sflag:s8] =	dma.local @!p0 [hbm:s6], $0xF7A  }
0x23: {  	s9 =	sor.u32 $0xD0000000, s2;
	s6 =	simm.s32 $0x108;
	_ =	swait.ge @!p0 [sflag:s8], $0x0  }
0x24: {  	s3 =	sadd.s32 $0x88, s3;
	s6 =	simm.s32 @!p1 $0x1082;
	[sflag:s4] =	ssyncset.s32 $0xFFFFF086  }
0x25: {  	[simem:s6], [sflag:s4] =	dma.local [hbm:s3], $0xF7A  }
0x26: {  	[smem:$0x3F8E] =	sst s1;
	(tag) =	ssettag s2;
	_ =	strace s9  }
0x27: {  	s1 =	sld [smem:$0x3F9E]  }
0x28: {  	s2 =	sld [smem:$0x3F9F]  }
0x29: {  	s4 =	sld [smem:$0x3FA1]  }
0x2a: {  	p0 =	seq.s32 s5, $0x0;
	s5 =	sld [smem:$0x3FA2]  }
0x2b: {  	s6 =	sld [smem:$0x3FA3]  }
0x2c: {  	s7 =	sld [smem:$0x3FA4]  }
0x2d: {  	s3 =	simm.s32 $0x108;
	s8 =	sld [smem:$0x3FA5]  }
0x2e: {  	s3 =	simm.s32 @!p0 $0x1082;
	s9 =	sld [smem:$0x3FA6]  }
0x2f: {  	lr =	sadd.s32 s0, s3;
	s0 =	sld [smem:$0x3F9D]  }
0x30: {  	s3 =	sld [smem:$0x3FA0]  }
0x31: {  	[smem:$0x3FA9] =	sst s10  }
0x32: {  	s10 =	sld [smem:$0x3FA7];
	_ =	sdelay $0x3  }
0x33: {  	p0 =	seq.s32 s10, $0x1;
	s10 =	sld [smem:$0x3FA9];
	_ =	sdelay $0x3  }
0x34: {  	[smem:$0x3FA9] =	sst s10  }
0x35: {  	s10 =	sld [smem:$0x3FA8];
	_ =	sdelay $0x3  }
0x36: {  	p1 =	seq.s32 s10, $0x1;
	s10 =	sld [smem:$0x3FA9];
	_ =	sdelay $0x3  }
0x37: {  	[smem:$0x3FA9] =	sst s10  }
0x38: {  	s10 =	sld [smem:$0x3FAA]  }
0x39: {  	_ = 	snop;
	(pc) =	sbr.ind lr, $3  }
0x3a: {  	_ = 	snop  }
0x3b: {  	_ = 	snop  }
0x3c: {  	p2 =	seq.s32 s10, $0x1;
	s10 =	sld [smem:$0x3FA9]  }
0x3d: {  	_ =	shalt  }
0x3e: {  	_ =	shalt  }
0x3f: {  	_ =	shalt  }
0x40: {  	_ =	shalt  }
0x41: {  	_ =	shalt  }
0x42: {  	_ =	shalt  }
0x43: {  	_ =	shalt  }
0x44: {  	_ =	shalt  }
0x45: {  	_ =	shalt  }
0x46: {  	_ =	shalt  }
0x47: {  	_ =	shalt  }
0x48: {  	_ =	shalt  }
0x49: {  	_ =	shalt  }
0x4a: {  	_ =	shalt  }
0x4b: {  	_ =	shalt  }
0x4c: {  	_ =	shalt  }
0x4d: {  	_ =	shalt  }
0x4e: {  	_ =	shalt  }
0x4f: {  	_ =	shalt  }
0x50: {  	_ =	shalt  }
0x51: {  	_ =	shalt  }
0x52: {  	_ =	shalt  }
0x53: {  	_ =	shalt  }
0x54: {  	_ =	shalt  }
0x55: {  	_ =	shalt  }
0x56: {  	_ =	shalt  }
0x57: {  	_ =	shalt  }
0x58: {  	_ =	shalt  }
0x59: {  	_ =	shalt  }
0x5a: {  	_ =	shalt  }
0x5b: {  	_ =	shalt  }
0x5c: {  	_ =	shalt  }
0x5d: {  	_ =	shalt  }
0x5e: {  	_ =	shalt  }
0x5f: {  	_ =	shalt  }
0x60: {  	_ =	shalt  }
0x61: {  	_ =	shalt  }
0x62: {  	_ =	shalt  }
0x63: {  	_ =	shalt  }
0x64: {  	_ =	shalt  }
0x65: {  	_ =	shalt  }
0x66: {  	_ =	shalt  }
0x67: {  	_ =	shalt  }
0x68: {  	_ =	shalt  }
0x69: {  	_ =	shalt  }
0x6a: {  	_ =	shalt  }
0x6b: {  	_ =	shalt  }
0x6c: {  	_ =	shalt  }
0x6d: {  	_ =	shalt  }
0x6e: {  	_ =	shalt  }
0x6f: {  	_ =	shalt  }
0x70: {  	_ =	shalt  }
0x71: {  	_ =	shalt  }
0x72: {  	_ =	shalt  }
0x73: {  	_ =	shalt  }
0x74: {  	_ =	shalt  }
0x75: {  	_ =	shalt  }
0x76: {  	_ =	shalt  }
0x77: {  	_ =	shalt  }
0x78: {  	_ =	shalt  }
0x79: {  	_ =	shalt  }
0x7a: {  	_ =	shalt  }
0x7b: {  	_ =	shalt  }
0x7c: {  	_ =	shalt  }
0x7d: {  	_ =	shalt  }
0x7e: {  	_ =	shalt  }
0x7f: {  	_ =	shalt  }
0x80: {  	_ =	shalt  }
0x81: {  	_ =	shalt  }
0x82: {  	_ =	shalt  }
0x83: {  	_ =	shalt  }
0x84: {  	_ =	shalt  }
0x85: {  	_ =	shalt  }
0x86: {  	_ =	shalt  }
0x87: {  	_ =	shalt  }
.Lfunc_end0:
.L_simem_size_0:
called_computation_lowered:
.L_overlay_start_0:
0x88: {  	s2 =	sld [smem:$0x3FD9]  }
0x89: {  	s3 =	sld [smem:$0x3FFE];
	_ =	sdelay $0x1  }
0x8a: {  	s1 =	srdreg.scid  }
0x8b: {  	s0 =	sand.u32 $0x1, s1  }
0x8c: {  	s16 =	sshll.u32 s0, $0xA;
	s2 =	sadd.s32 s3, s2  }
0x8d: {  	s2 =	sadd.s32 s2, s16  }
0x8e: {  	[smem:$0x3FB5] =	sst s2  }
0x8f: {  	_ = 	snop  }
0x90: {  	(tm) =	ssettm $0x1  }
0x91: {  	s17 =	sld [smem:$0x3FFB];
	_ =	sdelay $0x3  }
0x92: {  	_ =	strace s17  }
0x93: {  	s2 =	sld [smem:$0x3FFC];
	_ =	sdelay $0x3  }
0x94: {  	_ =	strace s2  }
0x95: {  	s2 =	sld [smem:$0x3FFD];
	_ =	sdelay $0x3  }
0x96: {  	_ =	strace s2  }
0x97: {  	_ =	strace $0x8FFFFFFF  }
0x98: {  	s18 =	sld [smem:$0x3FDB];
	_ =	sdelay $0x1  }
0x99: {  	s19 =	simm.s32 $_scs_section_size  }
0x9a: {  	s4 =	simm.s32 $_size__tile_overlayer_lowered;
	s5 =	simm.s32 $_tile_overlayer_lowered  }
0x9b: {  	s22 =	simm.s32 $0x1BFF;
	s21 =	sshll.u32 s5, $0x1;
	s2 =	sadd.s32 s19, s18  }
0x9c: {  	s6 =	simm.s32 $0x0;
	s20 =	sshll.u32 s4, $0x1;
	s4 =	sadd.s32 s21, s2  }
0x9d: {  	[timem:s6], [sflag:s22] =	dma.local [hbm:s4], s20  }
0x9e: {  	_ =	swait.ge [sflag:s22], s20  }
0x9f: {  	s3 =	ssub.s32 $0x0, s20;
	[sflag:s22] =	ssyncset.done $0x0  }
0xa0: {  	[sflag:s22] =	ssyncadd.s32 s3;
	_ =	sdelay $0x1  }
0xa1: {  	s23 =	simm.s32 $0x1B8B  }
0xa2: {  	_ =	swait.ge [sflag:s23], $0x1  }
0xa3: {  	[sflag:s23] =	ssyncset.done $0x0  }
0xa4: {  	s25 =	simm.s32 $0x1B8E;
	s24 =	sld [smem:$0x3FFE];
	[sflag:s23] =	ssyncadd.s32 $0xFFFFFFFF  }
0xa5: {  	s26 =	simm.s32 $execute0_lowered;
	[smem:$0x3FD2] =	sst s25  }
0xa6: {  	s4 =	sshll.u32 s26, $0x1;
	_ =	strace $0x80000046;
	[dreg:$0x1] =	wrdreg $0xFFFFFFFF  }
0xa7: {  	s28 =	simm.s32 $_size_execute0_lowered;
	s2 =	sadd.s32 s2, s4;
	[dreg:$0x0] =	wrdreg $0x0  }
0xa8: {  	s4 =	sshll.u32 s28, $0x1;
	[dreg:$0x2] =	wrdreg s2  }
0xa9: {  	[dreg:$0x3] =	wrdreg s4  }
0xaa: {  	[dreg:$0x4] =	wrdreg $0xC0  }
0xab: {  	_ =	task [dreg:s6], $0x5FFFF  }
0xac: {  	[dreg:$0x1] =	wrdreg $0xFFFFFFFF  }
0xad: {  	[dreg:$0x0] =	wrdreg $0x60  }
0xae: {  	[dreg:$0x2] =	wrdreg s24  }
0xaf: {  	[dreg:$0x3] =	wrdreg $0x9  }
0xb0: {  	_ =	task.clear_ibuf [dreg:s6], $0x4FFFF;
	_ =	strace $0x90000046  }
0xb1: {  	s29 =	simm.s32 $0x9;
	_ =	strace $0x80000048  }
0xb2: {  	_ =	swait.ge [sflag:s29], $0x1  }
0xb3: {  	[sflag:s29] =	ssyncadd.s32 $0xFFFFFFFF  }
0xb4: {  	_ =	strace $0x90000048  }
0xb5: {  	_ =	sfence  }
0xb6: {  	s30 =	sld [smem:$0x0];
	_ =	sdelay $0x2  }
0xb7: {  	s31 =	sshll.u32 s1, $0xD;
	s1 =	sshrl.u32 s1, $0x2  }
0xb8: {  	s3 =	sand.u32 $0x4000, s31;
	s1 =	sadd.s32 s1, s30  }
0xb9: {  	s0 =	sor.u32 s3, s0;
	s1 =	sshll.u32 s1, $0x11  }
0xba: {  	s0 =	sor.u32 s1, s0  }
0xbb: {  	s0 =	sadd.s32 $0x8F2B, s0  }
0xbc: {  	[sflag:s0] =	ssyncadd.remote.s32 $0x1  }
0xbd: {  	_ =	sfence.sel $0xFFFF  }
0xbe: {  	[dreg:$0x0] =	wrdreg $0xFFFFFFFF;
	(pc) =	sbr.abs _section_cstart, $3  }
0xbf: {  	[dreg:$0x1] =	wrdreg $0xFFFFFFFF  }
0xc0: {  	_ =	task.clear_ibuf [dreg:s6], $0x2FFFF;
	_ =	strace $0x9FFFFFFF  }
0xc1: {  	(tm) =	ssettm $0x7FFFFFFF  }
tec
execute0_lowered:
.L_overlay_start_1:
0x0: {  	(tag) =	ssettag $0x1  }
0x1: {  	s4 =	rddreg [dreg:$0x0]  }
0x2: {  	s0 =	rddreg [dreg:$0x1]  }
0x3: {  	s3 =	srdreg.scid;
	s1 =	stileid.u32;
	s2 =	simm.s32 $0x0  }
0x4: {  	s10 =	simm.s32 $0x1;
	s11 =	simm.s32 $0x0;
	s6 =	smul.u32 $0x6200, s1  }
0x5: {  	s5 =	sand.u32 $0x1, s3;
	[smem:$0x7FF] =	sst s2;
	s8 =	smul.u32 $0x62000, s1  }
0x6: {  	s3 =	sadd.s32 $0x19CC00, s4;
	s7 =	smul.u32 $0x3100, s5;
	s9 =	ssub.s32 $0x2, s5  }
0x7: {  	_ =	strace $0x80000047;
	s5 =	smul.u32 $0x31000, s5;
	s31 =	sshrl.u32 s9, $0x1  }
0x8: {  	s30 =	sadd.s32 s8, s4;
	s6 =	sadd.s32 s7, s6;
	s8 =	ssub.s32 s9, s31  }
0x9: {  	s5 =	sadd.s32 s5, s30;
	s7 =	simm.s32 $0x2;
	s6 =	sshrl.u32 s6, $0x3  }
0xa: {  	s9 =	simm.s32 $0x380;
	s5 =	sadd.s32 $0x324C00, s5;
	s6 =	sadd.s32 s6, s4  }
0xb: {  	s4 =	smax.u32 s8, $0x1;
	s8 =	simm.s32 $0x310;
	s6 =	sadd.s32 $0x8800, s6  }
.LBB2_1:
0xc: {  	s12 =	sadd.s32 $0x0, s6  }
0xd: {  	[tilespmem:s2], [sflag:$0x2] =	stream.linear.gather [hbm4b:s12+s2], $0x310, $0x38;
	[tilespmem:$0x18B80] =	vst v63  }
0xe: {  	_ =	swait.ge [sflag:s7], $0x310  }
0xf: {  	[sflag:s7] =	ssyncset.done $0x0  }
0x10: {  	[sflag:s7] =	ssyncadd.s32 $0xFFFFFCF0  }
0x11: {  	[tilespmem:s9], [sflag:$0x1] =	stream.indirect.gather [hbm4b:s3+s8], $0x80, s2, s8, $0xb8;
	[tilespmem:$0x18B80] =	vst v63  }
0x12: {  	_ =	swait.ge [sflag:s10], $0x18800  }
0x13: {  	[sflag:s10] =	ssyncset.done $0x0  }
0x14: {  	[sflag:s10] =	ssyncadd.s32 $0xFFFE7800  }
0x15: {  	[hbm4b:s5+s2] =	stream.linear.scatter [tilespmem:s9], [sflag:$0x2], $0x18800, $0x38;
	[tilespmem:$0x18B80] =	vst v63  }
0x16: {  	s13 =	simm.s32 $0x62;
	_ =	swait.ge [sflag:s7], $0x18800  }
0x17: {  	s14 =	simm.s32 $0xC4;
	s12 =	sadd.s32 $0x3100, s5;
	[sflag:s7] =	ssyncset.done $0x0  }
.LBB2_2:
0x18: {  	s15 =	sadd.s32 s13, s6  }
0x19: {  	[sflag:s7] =	ssyncadd.s32 $0xFFFE7800;
	s13 =	smov.u32 s14;
	s16 =	sadd.s32 $0x62, s14  }
0x1a: {  	[tilespmem:s2], [sflag:$0x2] =	stream.linear.gather [hbm4b:s15+s2], $0x310, $0x38;
	[tilespmem:$0x18B80] =	vst v63  }
0x1b: {  	p0 =	sne.s32 s14, $0x5BE;
	_ =	swait.ge [sflag:s7], $0x310  }
0x1c: {  	[sflag:s7] =	ssyncset.done $0x0  }
0x1d: {  	[sflag:s7] =	ssyncadd.s32 $0xFFFFFCF0  }
0x1e: {  	[tilespmem:s9], [sflag:$0x1] =	stream.indirect.gather [hbm4b:s3+s8], $0x80, s2, s8, $0xb8;
	[tilespmem:$0x18B80] =	vst v63  }
0x1f: {  	_ =	swait.ge [sflag:s10], $0x18800  }
.Ltmp0:
0x20: {  	[sflag:s10] =	ssyncset.done $0x0;
	(pc) =	sbr.rel @p0 .LBB2_2-.Ltmp0, $4  }
0x21: {  	[sflag:s10] =	ssyncadd.s32 $0xFFFE7800  }
0x22: {  	[hbm4b:s12+s2] =	stream.linear.scatter [tilespmem:s9], [sflag:$0x2], $0x18800, $0x38;
	[tilespmem:$0x18B80] =	vst v63  }
0x23: {  	_ =	swait.ge [sflag:s7], $0x18800  }
0x24: {  	s14 =	smov.u32 s16;
	s12 =	sadd.s32 $0x3100, s12;
	[sflag:s7] =	ssyncset.done $0x0  }
0x25: {  	s13 =	sadd.s32 s13, s6;
	[sflag:s7] =	ssyncadd.s32 $0xFFFE7800  }
0x26: {  	[tilespmem:s2], [sflag:$0x2] =	stream.linear.gather [hbm4b:s13+s2], $0x310, $0x38;
	[tilespmem:$0x18B80] =	vst v63  }
0x27: {  	_ =	swait.ge [sflag:s7], $0x310  }
0x28: {  	[sflag:s7] =	ssyncset.done $0x0  }
0x29: {  	[sflag:s7] =	ssyncadd.s32 $0xFFFFFCF0  }
0x2a: {  	[tilespmem:s9], [sflag:$0x1] =	stream.indirect.gather [hbm4b:s3+s8], $0x80, s2, s8, $0xb8;
	[tilespmem:$0x18B80] =	vst v63  }
0x2b: {  	s11 =	sadd.s32 $0x1, s11;
	_ =	swait.ge [sflag:s10], $0x18800  }
0x2c: {  	p0 =	sne.s32 s11, s4;
	[sflag:s10] =	ssyncset.done $0x0  }
.Ltmp1:
0x2d: {  	[sflag:s10] =	ssyncadd.s32 $0xFFFE7800;
	(pc) =	sbr.rel @p0 .LBB2_1-.Ltmp1, $4  }
0x2e: {  	[hbm4b:s12+s2] =	stream.linear.scatter [tilespmem:s9], [sflag:$0x2], $0x18800, $0x38;
	[tilespmem:$0x18B80] =	vst v63  }
0x2f: {  	_ =	swait.ge [sflag:s7], $0x18800  }
0x30: {  	[sflag:s7] =	ssyncset.done $0x0  }
0x31: {  	[sflag:s7] =	ssyncadd.s32 $0xFFFE7800  }
0x32: {  	_ =	sfence.sel $0x180000  }
0x33: {  	[bflag:$0x0] =	sbarrier.arrive $0xFFFF  }
0x34: {  	p0 =	sne.s32 s1, $0x0;
	_ =	strace $0x90000047  }
0x35: {  	s0 =	sadd.s32 @!p0 $0x100000, s0;
	[bflag:$0x2] =	sbarrier.arrive $0xFFFF  }
0x36: {  	[sflag:s0] =	ssyncadd.tile.s32 @!p0 $0x1;
	_ =	shalt  }
.Lfunc_end2:
_tile_overlayer_lowered:
.L_overlay_start_2:
0x37: {  	(tag) =	ssettag $0x2  }
0x38: {  	s0 =	rddreg [dreg:$0x0];
	s2 =	stileid.u32  }
0x39: {  	s1 =	rddreg [dreg:$0x1];
	p0 =	sne.s32 s2, $0x0  }
0x3a: {  	s3 =	rddreg [dreg:$0x2];
	[bflag:$0x3] =	sbarrier.arrive $0xFFFF;
	s2 =	simm.s32 @!p0 $0x1C02  }
0x3b: {  	[timem:s3], [sflag:s2] =	dma.local @!p0 [hbm:s0], s1  }
0x3c: {  	s0 =	simm.s32 @!p0 $0x2  }
0x3d: {  	_ =	swait.ge @!p0 [sflag:s0], s1  }
0x3e: {  	s1 =	ssub.s32 @!p0 $0x0, s1;
	[sflag:s0] =	ssyncset.done @!p0 $0x0  }
0x3f: {  	[sflag:s0] =	ssyncadd.s32 @!p0 s1  }
0x40: {  	[bflag:$0x3] =	sbarrier.arrive $0xFFFF  }
0x41: {  	_ =	shalt  }

</sc_bundles>
